<compile_context>
chip_gen: v7x
topology: tpu7x:2x2x1
jax: 0.10.2.dev20260603
libtpu: 0.0.44.dev20260713+nightly
codegen_flags: <defaults>
</compile_context>

<pallas_src>
import functools

import jax
import jax.numpy as jnp
from jax import lax
from jax.experimental import pallas as pl
from jax.experimental.pallas import tpu as pltpu
from jax.experimental.pallas import tpu_sc as plsc

NC = 2
NS = 16
NW = NC * NS

_ZROWS = 25


@functools.lru_cache(maxsize=None)
def _make_segsum(n, e, d, chunk, nbuf):
    assert e % (NW * chunk) == 0
    e_per = e // NW
    nch = e_per // chunk
    assert nch % nbuf == 0
    nit = nch // nbuf
    rps = n // NS
    assert rps % _ZROWS == 0
    mesh = plsc.VectorSubcoreMesh(
        core_axis_name="c", subcore_axis_name="s", num_cores=NC, num_subcores=NS
    )

    @functools.partial(
        pl.kernel,
        mesh=mesh,
        out_type=jax.ShapeDtypeStruct((NC, n, d), jnp.float32),
        scratch_types=[
            pltpu.VMEM((nch, chunk), jnp.int32),
            pltpu.VMEM((nch, chunk), jnp.int32),
            [pltpu.VMEM((chunk, d), jnp.float32) for _ in range(nbuf)],
            pltpu.VMEM((_ZROWS, d), jnp.float32),
            pltpu.VMEM_SHARED((n, d), jnp.float32),
            [pltpu.SemaphoreType.DMA for _ in range(nbuf)],
            [pltpu.SemaphoreType.DMA for _ in range(nbuf)],
        ],
        compiler_params=pltpu.CompilerParams(
            use_tc_tiling_on_sc=False,
            disable_bounds_checks=True,
            disable_semaphore_checks=True,
        ),
    )
    def segsum(x_hbm, ei_hbm, out_hbm,
               src_v, dst_v, rows, zbuf, acc, sem_g, sem_s):
        c = lax.axis_index("c")
        s = lax.axis_index("s")
        wid = s * NC + c
        row0 = s * rps

        pltpu.async_copy(ei_hbm.at[0, pl.ds(wid * nch, nch)], src_v, sem_g[0])
        pltpu.async_copy(ei_hbm.at[1, pl.ds(wid * nch, nch)], dst_v, sem_g[1])

        def zrow(r, carry):
            def zcol(q, carry2):
                zbuf[r, pl.ds(q * 16, 16)] = jnp.zeros((16,), jnp.float32)
                return carry2
            return lax.fori_loop(0, d // 16, zcol, carry)

        lax.fori_loop(0, _ZROWS, zrow, 0)

        nz = rps // _ZROWS

        def zcopy(i, carry):
            pltpu.async_copy(zbuf, acc.at[pl.ds(row0 + i * _ZROWS, _ZROWS)],
                             sem_s[0])
            return carry

        lax.fori_loop(0, nz, zcopy, 0)

        def zdrain(i, carry):
            pltpu.make_async_copy(zbuf, acc.at[pl.ds(row0, _ZROWS)],
                                  sem_s[0]).wait()
            return carry

        pltpu.make_async_copy(ei_hbm.at[0, pl.ds(0, nch)], src_v,
                              sem_g[0]).wait()
        pltpu.make_async_copy(ei_hbm.at[0, pl.ds(0, nch)], dst_v,
                              sem_g[1]).wait()
        for b in range(nbuf):
            pltpu.async_copy(x_hbm.at[src_v.at[b]], rows[b], sem_g[b])

        lax.fori_loop(0, nz, zdrain, 0)
        plsc.subcore_barrier()

        def body(k, carry):
            j0 = k * nbuf
            for b in range(nbuf):
                pltpu.make_async_copy(
                    x_hbm.at[pl.ds(0, chunk)], rows[b], sem_g[b]).wait()
                pltpu.async_copy(rows[b], acc.at[dst_v.at[j0 + b]],
                                 sem_s[b], add=True)
            for b in range(nbuf):
                @pl.when(k < nit - 1)
                def _():
                    pltpu.make_async_copy(
                        rows[b], acc.at[pl.ds(0, chunk)], sem_s[b]).wait()
                    pltpu.async_copy(x_hbm.at[src_v.at[j0 + nbuf + b]],
                                     rows[b], sem_g[b])
            return carry

        lax.fori_loop(0, nit, body, 0)
        for b in range(nbuf):
            pltpu.make_async_copy(
                rows[b], acc.at[pl.ds(0, chunk)], sem_s[b]).wait()
        plsc.subcore_barrier()
        pltpu.sync_copy(acc.at[pl.ds(row0, rps)],
                        out_hbm.at[c, pl.ds(row0, rps)])

    return segsum


def _mid_body(p_ref, w0_ref, b0_ref, w1_ref, o_ref):
    ssum = p_ref[0] + p_ref[1]
    h = jnp.dot(ssum, w0_ref[...], preferred_element_type=jnp.float32)
    h = jnp.maximum(h + b0_ref[...], 0.0)
    o_ref[...] = jnp.dot(h, w1_ref[...], preferred_element_type=jnp.float32)


def _final_body(p_ref, b1_ref, o_ref):
    blk2 = p_ref.shape[1]
    ssum = (p_ref[0] + p_ref[1] + b1_ref[...]).reshape(blk2, 2, 64)
    m = jnp.max(ssum, axis=2, keepdims=True)
    shifted = ssum - m
    lse = jnp.log(jnp.sum(jnp.exp(shifted), axis=2, keepdims=True))
    o_ref[...] = (shifted - lse).reshape(blk2, 128)


def kernel(x, edge_index, W0, b0, W1, b1):
    n, d = x.shape
    h_dim = W0.shape[1]
    o_dim = W1.shape[1]
    e = edge_index.shape[1]

    ei128 = edge_index.reshape(2, e // 40, 40)
    p1 = _make_segsum(n, e, d, 40, 5)(x, ei128)

    blk = 2000
    hw = pl.pallas_call(
        _mid_body,
        grid=(n // blk,),
        in_specs=[
            pl.BlockSpec((NC, blk, d), lambda i: (0, i, 0)),
            pl.BlockSpec((d, h_dim), lambda i: (0, 0)),
            pl.BlockSpec((1, h_dim), lambda i: (0, 0)),
            pl.BlockSpec((h_dim, o_dim), lambda i: (0, 0)),
        ],
        out_specs=pl.BlockSpec((blk, o_dim), lambda i: (i, 0)),
        out_shape=jax.ShapeDtypeStruct((n, o_dim), jnp.float32),
    )(p1, W0, b0.reshape(1, h_dim), W1)

    ei64 = edge_index.reshape(2, e // 80, 80)
    p2 = _make_segsum(n, e, o_dim, 80, 5)(hw, ei64)

    n2 = n // 2
    blk_f = 1000
    p2r = p2.reshape(NC, n2, 2 * o_dim)
    b1r = jnp.tile(b1.reshape(1, o_dim), (1, 2))
    out = pl.pallas_call(
        _final_body,
        grid=(n2 // blk_f,),
        in_specs=[
            pl.BlockSpec((NC, blk_f, 2 * o_dim), lambda i: (0, i, 0)),
            pl.BlockSpec((1, 2 * o_dim), lambda i: (0, 0)),
        ],
        out_specs=pl.BlockSpec((blk_f, 2 * o_dim), lambda i: (i, 0)),
        out_shape=jax.ShapeDtypeStruct((n2, 2 * o_dim), jnp.float32),
    )(p2r, b1r)
    return out.reshape(n, o_dim)

# --- scband reference (transcript-rebuilt; emitter-appended) ---
"""Pipeline reference for scband-fast-gcnv2-42691974922775 (READ-ONLY COPY).

The authoritative reference and input builder live on the scoring server;
editing this copy changes nothing except your own understanding.
"""

import jax, jax.numpy as jnp
import numpy as np

N, E, D, H, O = 10000, 320000, 128, 128, 64

def setup_inputs(seed: int = 0) -> dict:
    key = jax.random.key(seed)
    k1, k2, k3, k4, k5, k6 = jax.random.split(key, 6)
    x = jax.random.normal(k1, (N, D), dtype=jnp.float32)
    edge_index = jax.random.randint(k2, (2, E), 0, N, dtype=jnp.int32)
    W0 = jax.random.normal(k3, (D, H), dtype=jnp.float32) * 0.05
    b0 = jnp.zeros((H,), dtype=jnp.float32)
    W1 = jax.random.normal(k4, (H, O), dtype=jnp.float32) * 0.05
    b1 = jnp.zeros((O,), dtype=jnp.float32)
    return {"x": x, "edge_index": edge_index, "W0": W0, "b0": b0, "W1": W1, "b1": b1}

def reference(x, edge_index, W0, b0, W1, b1):
    # FastGCNv2 non-stochastic forward with 2 GCN layers (hidden_dims=[128]).
    # Layer 0 uses the precomputed aggregation: precompute = A @ x
    src = edge_index[0]
    dst = edge_index[1]
    n = x.shape[0]
    # precompute = sparse A @ x  (scatter-add of gathered rows)
    precompute = jax.ops.segment_sum(jnp.take(x, src, axis=0), dst, num_segments=n)
    # GCNLayer.precomputed_forward: linear on the precomputed aggregation
    h = precompute @ W0 + b0
    h = jax.nn.relu(h)
    # Final GCNLayer: adj @ (h @ W1) + b1, then LogSoftmax
    hw = h @ W1
    agg = jax.ops.segment_sum(jnp.take(hw, src, axis=0), dst, num_segments=n) + b1
    out = jax.nn.log_softmax(agg, axis=1)
    return out

if __name__ == "__main__":
    import jax
    _d = setup_inputs()
    print(jax.jit(kernel)(*tuple(_d.values())))

</pallas_src>

<mosaic_0001>
#map = affine_map<(d0, d1) -> (0, 0)>
#map1 = affine_map<(d0, d1) -> (0, 0, 0)>
module attributes {stable_mosaic.version = 14 : i64} {
  func.func @segsum(%arg0: i32, %arg1: i32, %arg2: memref<10000x64xf32, #tpu.memory_space<hbm>>, %arg3: memref<2x4000x80xi32, #tpu.memory_space<hbm>>, %arg4: memref<2x10000x64xf32, #tpu.memory_space<hbm>>, %arg5: memref<125x80xi32, #tpu.memory_space<vmem>>, %arg6: memref<125x80xi32, #tpu.memory_space<vmem>>, %arg7: memref<80x64xf32, #tpu.memory_space<vmem>>, %arg8: memref<80x64xf32, #tpu.memory_space<vmem>>, %arg9: memref<80x64xf32, #tpu.memory_space<vmem>>, %arg10: memref<80x64xf32, #tpu.memory_space<vmem>>, %arg11: memref<80x64xf32, #tpu.memory_space<vmem>>, %arg12: memref<25x64xf32, #tpu.memory_space<vmem>>, %arg13: memref<10000x64xf32, #tpu.memory_space<vmem_shared>>, %arg14: memref<!tpu.dma_semaphore, #tpu.memory_space<semaphore_mem>>, %arg15: memref<!tpu.dma_semaphore, #tpu.memory_space<semaphore_mem>>, %arg16: memref<!tpu.dma_semaphore, #tpu.memory_space<semaphore_mem>>, %arg17: memref<!tpu.dma_semaphore, #tpu.memory_space<semaphore_mem>>, %arg18: memref<!tpu.dma_semaphore, #tpu.memory_space<semaphore_mem>>, %arg19: memref<!tpu.dma_semaphore, #tpu.memory_space<semaphore_mem>>, %arg20: memref<!tpu.dma_semaphore, #tpu.memory_space<semaphore_mem>>, %arg21: memref<!tpu.dma_semaphore, #tpu.memory_space<semaphore_mem>>, %arg22: memref<!tpu.dma_semaphore, #tpu.memory_space<semaphore_mem>>, %arg23: memref<!tpu.dma_semaphore, #tpu.memory_space<semaphore_mem>>) attributes {dimension_semantics = [#tpu.dimension_semantics<core_parallel>, #tpu.dimension_semantics<subcore_parallel>], iteration_bounds = array<i64: 2, 16>, scalar_prefetch = 0 : i64, scratch_operands = 19 : i64, tpu.core_type = #tpu.core_type<sc_vector_subcore>, window_params = [{transform_indices = #map}, {transform_indices = #map1}, {transform_indices = #map1}]} {
    %mul3A = arith.constant 2 : i32
    %mul3A_0 = arith.muli %arg1, %mul3A : i32
    %add3A = arith.addi %mul3A_0, %arg0 : i32
    %mul3A_1 = arith.constant 625 : i32
    %mul3A_2 = arith.muli %arg1, %mul3A_1 : i32
    %mul3A_3 = arith.constant 125 : i32
    %mul3A_4 = arith.muli %add3A, %mul3A_3 : i32
    %dma_start3A = arith.constant 0 : i32
    %dma_start3A_5 = arith.constant 0 : i32
    %dma_start3A_6 = tpu.memref_slice %arg3[%dma_start3A, %mul3A_4, %dma_start3A_5] : memref<2x4000x80xi32, #tpu.memory_space<hbm>> -> memref<1x125x80xi32, #tpu.memory_space<hbm>>
    %dma_start3A_7 = tpu.memref_squeeze %dma_start3A_6 : memref<1x125x80xi32, #tpu.memory_space<hbm>> -> memref<125x80xi32, #tpu.memory_space<hbm>>
    %dma_start3A_8 = arith.constant 0 : i32
    %dma_start3A_9 = tpu.memref_slice %arg3[%dma_start3A, %mul3A_4, %dma_start3A_8] : memref<2x4000x80xi32, #tpu.memory_space<hbm>> -> memref<1x125x80xi32, #tpu.memory_space<hbm>>
    %dma_start3A_10 = tpu.memref_squeeze %dma_start3A_9 : memref<1x125x80xi32, #tpu.memory_space<hbm>> -> memref<125x80xi32, #tpu.memory_space<hbm>>
    tpu.enqueue_dma source(%dma_start3A_10 : memref<125x80xi32, #tpu.memory_space<hbm>>) target(%arg5 : memref<125x80xi32, #tpu.memory_space<vmem>>) target_semaphore(%arg14 : memref<!tpu.dma_semaphore, #tpu.memory_space<semaphore_mem>>)
    %mul3A_11 = arith.constant 125 : i32
    %mul3A_12 = arith.muli %add3A, %mul3A_11 : i32
    %dma_start3A_13 = arith.constant 1 : i32
    %dma_start3A_14 = arith.constant 0 : i32
    %dma_start3A_15 = tpu.memref_slice %arg3[%dma_start3A_13, %mul3A_12, %dma_start3A_14] : memref<2x4000x80xi32, #tpu.memory_space<hbm>> -> memref<1x125x80xi32, #tpu.memory_space<hbm>>
    %dma_start3A_16 = tpu.memref_squeeze %dma_start3A_15 : memref<1x125x80xi32, #tpu.memory_space<hbm>> -> memref<125x80xi32, #tpu.memory_space<hbm>>
    %dma_start3A_17 = arith.constant 0 : i32
    %dma_start3A_18 = tpu.memref_slice %arg3[%dma_start3A_13, %mul3A_12, %dma_start3A_17] : memref<2x4000x80xi32, #tpu.memory_space<hbm>> -> memref<1x125x80xi32, #tpu.memory_space<hbm>>
    %dma_start3A_19 = tpu.memref_squeeze %dma_start3A_18 : memref<1x125x80xi32, #tpu.memory_space<hbm>> -> memref<125x80xi32, #tpu.memory_space<hbm>>
    tpu.enqueue_dma source(%dma_start3A_19 : memref<125x80xi32, #tpu.memory_space<hbm>>) target(%arg6 : memref<125x80xi32, #tpu.memory_space<vmem>>) target_semaphore(%arg15 : memref<!tpu.dma_semaphore, #tpu.memory_space<semaphore_mem>>)
    %scan3A = arith.constant 0 : i32
    %scan3A_20 = arith.constant 0 : i32
    %scan3A_21 = arith.constant 25 : i32
    %scan3A_22 = arith.addi %scan3A_20, %scan3A_21 : i32
    %scan3A_23 = arith.constant 1 : i32
    scf.for %scan3A_126 = %scan3A_20 to %scan3A_22 step %scan3A_23  : i32 {
      %scan3A_127 = arith.constant 0 : i32
      %scan3A_128 = arith.constant 4 : i32
      %scan3A_129 = arith.addi %scan3A_127, %scan3A_128 : i32
      %scan3A_130 = arith.constant 1 : i32
      scf.for %scan3A_132 = %scan3A_127 to %scan3A_129 step %scan3A_130  : i32 {
        %broadcast_in_dim3A = arith.constant 0.000000e+00 : f32
        %broadcast_in_dim3A_133 = vector.broadcast %broadcast_in_dim3A : f32 to vector<16xf32>
        %mul3A_134 = arith.constant 16 : i32
        %mul3A_135 = arith.muli %scan3A_132, %mul3A_134 : i32
        %swap3A = arith.index_cast %scan3A_126 : i32 to index
        %swap3A_136 = arith.index_cast %mul3A_135 : i32 to index
        %swap3A_137 = tpu.vector_load %arg12[%swap3A, %swap3A_136] {strides = array<i32>} : memref<25x64xf32, #tpu.memory_space<vmem>>, vector<1x16xf32>,
        %swap3A_138 = vector.shape_cast %swap3A_137 : vector<1x16xf32> to vector<16xf32>
        %swap3A_139 = vector.shape_cast %broadcast_in_dim3A_133 : vector<16xf32> to vector<1x16xf32>
        tpu.vector_store %arg12[%swap3A, %swap3A_136], %swap3A_139 {strides = array<i32>} : memref<25x64xf32, #tpu.memory_space<vmem>>, vector<1x16xf32>,
      }
      %scan3A_131 = arith.constant 4 : i32
    }
    %scan3A_24 = arith.constant 25 : i32
    %scan3A_25 = arith.constant 0 : i32
    %scan3A_26 = arith.constant 0 : i32
    %scan3A_27 = arith.constant 25 : i32
    %scan3A_28 = arith.addi %scan3A_26, %scan3A_27 : i32
    %scan3A_29 = arith.constant 1 : i32
    scf.for %scan3A_126 = %scan3A_26 to %scan3A_28 step %scan3A_29  : i32 {
      %mul3A_127 = arith.constant 25 : i32
      %mul3A_128 = arith.muli %scan3A_126, %mul3A_127 : i32
      %add3A_129 = arith.addi %mul3A_2, %mul3A_128 : i32
      %dma_start3A_130 = arith.constant 0 : i32
      %dma_start3A_131 = tpu.memref_slice %arg13[%add3A_129, %dma_start3A_130] : memref<10000x64xf32, #tpu.memory_space<vmem_shared>> -> memref<25x64xf32, #tpu.memory_space<vmem_shared>>
      %dma_start3A_132 = arith.constant 0 : i32
      %dma_start3A_133 = tpu.memref_slice %arg13[%add3A_129, %dma_start3A_132] : memref<10000x64xf32, #tpu.memory_space<vmem_shared>> -> memref<25x64xf32, #tpu.memory_space<vmem_shared>>
      tpu.enqueue_dma source(%arg12 : memref<25x64xf32, #tpu.memory_space<vmem>>) target(%dma_start3A_133 : memref<25x64xf32, #tpu.memory_space<vmem_shared>>) target_semaphore(%arg19 : memref<!tpu.dma_semaphore, #tpu.memory_space<semaphore_mem>>)
    }
    %scan3A_30 = arith.constant 25 : i32
    %dma_wait3A = arith.constant 0 : i32
    %dma_wait3A_31 = arith.constant 0 : i32
    %dma_wait3A_32 = arith.constant 0 : i32
    %dma_wait3A_33 = tpu.memref_slice %arg3[%dma_wait3A, %dma_wait3A_31, %dma_wait3A_32] : memref<2x4000x80xi32, #tpu.memory_space<hbm>> -> memref<1x125x80xi32, #tpu.memory_space<hbm>>
    %dma_wait3A_34 = tpu.memref_squeeze %dma_wait3A_33 : memref<1x125x80xi32, #tpu.memory_space<hbm>> -> memref<125x80xi32, #tpu.memory_space<hbm>>
    %dma_wait3A_35 = arith.constant 0 : i32
    %dma_wait3A_36 = arith.constant 0 : i32
    %dma_wait3A_37 = tpu.memref_slice %arg3[%dma_wait3A, %dma_wait3A_35, %dma_wait3A_36] : memref<2x4000x80xi32, #tpu.memory_space<hbm>> -> memref<1x125x80xi32, #tpu.memory_space<hbm>>
    %dma_wait3A_38 = tpu.memref_squeeze %dma_wait3A_37 : memref<1x125x80xi32, #tpu.memory_space<hbm>> -> memref<125x80xi32, #tpu.memory_space<hbm>>
    tpu.wait_dma2 semaphore(%arg14 : memref<!tpu.dma_semaphore, #tpu.memory_space<semaphore_mem>>) src(%dma_wait3A_38 : memref<125x80xi32, #tpu.memory_space<hbm>>) dst(%arg5 : memref<125x80xi32, #tpu.memory_space<vmem>>)
    %dma_wait3A_39 = arith.constant 0 : i32
    %dma_wait3A_40 = arith.constant 0 : i32
    %dma_wait3A_41 = arith.constant 0 : i32
    %dma_wait3A_42 = tpu.memref_slice %arg3[%dma_wait3A_39, %dma_wait3A_40, %dma_wait3A_41] : memref<2x4000x80xi32, #tpu.memory_space<hbm>> -> memref<1x125x80xi32, #tpu.memory_space<hbm>>
    %dma_wait3A_43 = tpu.memref_squeeze %dma_wait3A_42 : memref<1x125x80xi32, #tpu.memory_space<hbm>> -> memref<125x80xi32, #tpu.memory_space<hbm>>
    %dma_wait3A_44 = arith.constant 0 : i32
    %dma_wait3A_45 = arith.constant 0 : i32
    %dma_wait3A_46 = tpu.memref_slice %arg3[%dma_wait3A_39, %dma_wait3A_44, %dma_wait3A_45] : memref<2x4000x80xi32, #tpu.memory_space<hbm>> -> memref<1x125x80xi32, #tpu.memory_space<hbm>>
    %dma_wait3A_47 = tpu.memref_squeeze %dma_wait3A_46 : memref<1x125x80xi32, #tpu.memory_space<hbm>> -> memref<125x80xi32, #tpu.memory_space<hbm>>
    tpu.wait_dma2 semaphore(%arg15 : memref<!tpu.dma_semaphore, #tpu.memory_space<semaphore_mem>>) src(%dma_wait3A_47 : memref<125x80xi32, #tpu.memory_space<hbm>>) dst(%arg6 : memref<125x80xi32, #tpu.memory_space<vmem>>)
    %dma_start3A_48 = arith.constant 0 : i32
    %dma_start3A_49 = arith.constant 0 : i32
    %dma_start3A_50 = tpu.memref_slice %arg5[%dma_start3A_48, %dma_start3A_49] : memref<125x80xi32, #tpu.memory_space<vmem>> -> memref<1x80xi32, #tpu.memory_space<vmem>>
    %dma_start3A_51 = tpu.memref_squeeze %dma_start3A_50 : memref<1x80xi32, #tpu.memory_space<vmem>> -> memref<80xi32, #tpu.memory_space<vmem>>
    %dma_start3A_52 = arith.constant 0 : i32
    %dma_start3A_53 = arith.constant 0 : i32
    %dma_start3A_54 = tpu.memref_slice %arg2[%dma_start3A_52, %dma_start3A_53] : memref<10000x64xf32, #tpu.memory_space<hbm>> -> memref<10000x64xf32, #tpu.memory_space<hbm>>
    tpu.enqueue_indirect_dma source(%dma_start3A_54 : memref<10000x64xf32, #tpu.memory_space<hbm>>) target(%arg7 : memref<80x64xf32, #tpu.memory_space<vmem>>) offsets(%dma_start3A_51 : memref<80xi32, #tpu.memory_space<vmem>>) semaphore(%arg14 : memref<!tpu.dma_semaphore, #tpu.memory_space<semaphore_mem>>)
    %dma_start3A_55 = arith.constant 1 : i32
    %dma_start3A_56 = arith.constant 0 : i32
    %dma_start3A_57 = tpu.memref_slice %arg5[%dma_start3A_55, %dma_start3A_56] : memref<125x80xi32, #tpu.memory_space<vmem>> -> memref<1x80xi32, #tpu.memory_space<vmem>>
    %dma_start3A_58 = tpu.memref_squeeze %dma_start3A_57 : memref<1x80xi32, #tpu.memory_space<vmem>> -> memref<80xi32, #tpu.memory_space<vmem>>
    %dma_start3A_59 = arith.constant 0 : i32
    %dma_start3A_60 = arith.constant 0 : i32
    %dma_start3A_61 = tpu.memref_slice %arg2[%dma_start3A_59, %dma_start3A_60] : memref<10000x64xf32, #tpu.memory_space<hbm>> -> memref<10000x64xf32, #tpu.memory_space<hbm>>
    tpu.enqueue_indirect_dma source(%dma_start3A_61 : memref<10000x64xf32, #tpu.memory_space<hbm>>) target(%arg8 : memref<80x64xf32, #tpu.memory_space<vmem>>) offsets(%dma_start3A_58 : memref<80xi32, #tpu.memory_space<vmem>>) semaphore(%arg15 : memref<!tpu.dma_semaphore, #tpu.memory_space<semaphore_mem>>)
    %dma_start3A_62 = arith.constant 2 : i32
    %dma_start3A_63 = arith.constant 0 : i32
    %dma_start3A_64 = tpu.memref_slice %arg5[%dma_start3A_62, %dma_start3A_63] : memref<125x80xi32, #tpu.memory_space<vmem>> -> memref<1x80xi32, #tpu.memory_space<vmem>>
    %dma_start3A_65 = tpu.memref_squeeze %dma_start3A_64 : memref<1x80xi32, #tpu.memory_space<vmem>> -> memref<80xi32, #tpu.memory_space<vmem>>
    %dma_start3A_66 = arith.constant 0 : i32
    %dma_start3A_67 = arith.constant 0 : i32
    %dma_start3A_68 = tpu.memref_slice %arg2[%dma_start3A_66, %dma_start3A_67] : memref<10000x64xf32, #tpu.memory_space<hbm>> -> memref<10000x64xf32, #tpu.memory_space<hbm>>
    tpu.enqueue_indirect_dma source(%dma_start3A_68 : memref<10000x64xf32, #tpu.memory_space<hbm>>) target(%arg9 : memref<80x64xf32, #tpu.memory_space<vmem>>) offsets(%dma_start3A_65 : memref<80xi32, #tpu.memory_space<vmem>>) semaphore(%arg16 : memref<!tpu.dma_semaphore, #tpu.memory_space<semaphore_mem>>)
    %dma_start3A_69 = arith.constant 3 : i32
    %dma_start3A_70 = arith.constant 0 : i32
    %dma_start3A_71 = tpu.memref_slice %arg5[%dma_start3A_69, %dma_start3A_70] : memref<125x80xi32, #tpu.memory_space<vmem>> -> memref<1x80xi32, #tpu.memory_space<vmem>>
    %dma_start3A_72 = tpu.memref_squeeze %dma_start3A_71 : memref<1x80xi32, #tpu.memory_space<vmem>> -> memref<80xi32, #tpu.memory_space<vmem>>
    %dma_start3A_73 = arith.constant 0 : i32
    %dma_start3A_74 = arith.constant 0 : i32
    %dma_start3A_75 = tpu.memref_slice %arg2[%dma_start3A_73, %dma_start3A_74] : memref<10000x64xf32, #tpu.memory_space<hbm>> -> memref<10000x64xf32, #tpu.memory_space<hbm>>
    tpu.enqueue_indirect_dma source(%dma_start3A_75 : memref<10000x64xf32, #tpu.memory_space<hbm>>) target(%arg10 : memref<80x64xf32, #tpu.memory_space<vmem>>) offsets(%dma_start3A_72 : memref<80xi32, #tpu.memory_space<vmem>>) semaphore(%arg17 : memref<!tpu.dma_semaphore, #tpu.memory_space<semaphore_mem>>)
    %dma_start3A_76 = arith.constant 4 : i32
    %dma_start3A_77 = arith.constant 0 : i32
    %dma_start3A_78 = tpu.memref_slice %arg5[%dma_start3A_76, %dma_start3A_77] : memref<125x80xi32, #tpu.memory_space<vmem>> -> memref<1x80xi32, #tpu.memory_space<vmem>>
    %dma_start3A_79 = tpu.memref_squeeze %dma_start3A_78 : memref<1x80xi32, #tpu.memory_space<vmem>> -> memref<80xi32, #tpu.memory_space<vmem>>
    %dma_start3A_80 = arith.constant 0 : i32
    %dma_start3A_81 = arith.constant 0 : i32
    %dma_start3A_82 = tpu.memref_slice %arg2[%dma_start3A_80, %dma_start3A_81] : memref<10000x64xf32, #tpu.memory_space<hbm>> -> memref<10000x64xf32, #tpu.memory_space<hbm>>
    tpu.enqueue_indirect_dma source(%dma_start3A_82 : memref<10000x64xf32, #tpu.memory_space<hbm>>) target(%arg11 : memref<80x64xf32, #tpu.memory_space<vmem>>) offsets(%dma_start3A_79 : memref<80xi32, #tpu.memory_space<vmem>>) semaphore(%arg18 : memref<!tpu.dma_semaphore, #tpu.memory_space<semaphore_mem>>)
    %scan3A_83 = arith.constant 0 : i32
    %scan3A_84 = arith.constant 0 : i32
    %scan3A_85 = arith.constant 25 : i32
    %scan3A_86 = arith.addi %scan3A_84, %scan3A_85 : i32
    %scan3A_87 = arith.constant 1 : i32
    scf.for %scan3A_126 = %scan3A_84 to %scan3A_86 step %scan3A_87  : i32 {
      %dma_wait3A_127 = arith.constant 0 : i32
      %dma_wait3A_128 = tpu.memref_slice %arg13[%mul3A_2, %dma_wait3A_127] : memref<10000x64xf32, #tpu.memory_space<vmem_shared>> -> memref<25x64xf32, #tpu.memory_space<vmem_shared>>
      %dma_wait3A_129 = arith.constant 0 : i32
      %dma_wait3A_130 = tpu.memref_slice %arg13[%mul3A_2, %dma_wait3A_129] : memref<10000x64xf32, #tpu.memory_space<vmem_shared>> -> memref<25x64xf32, #tpu.memory_space<vmem_shared>>
      tpu.wait_dma2 semaphore(%arg19 : memref<!tpu.dma_semaphore, #tpu.memory_space<semaphore_mem>>) src(%arg12 : memref<25x64xf32, #tpu.memory_space<vmem>>) dst(%dma_wait3A_130 : memref<25x64xf32, #tpu.memory_space<vmem_shared>>)
    }
    %scan3A_88 = arith.constant 25 : i32
    %barrier3A = arith.constant 0 : index
    tpu.barrier barrier_id(%barrier3A)
    %scan3A_89 = arith.constant 0 : i32
    %scan3A_90 = arith.constant 0 : i32
    %scan3A_91 = arith.constant 25 : i32
    %scan3A_92 = arith.addi %scan3A_90, %scan3A_91 : i32
    %scan3A_93 = arith.constant 1 : i32
    scf.for %scan3A_126 = %scan3A_90 to %scan3A_92 step %scan3A_93  : i32 {
      %mul3A_127 = arith.constant 5 : i32
      %mul3A_128 = arith.muli %scan3A_126, %mul3A_127 : i32
      %dma_wait3A_129 = arith.constant 0 : i32
      %dma_wait3A_130 = arith.constant 0 : i32
      %dma_wait3A_131 = tpu.memref_slice %arg2[%dma_wait3A_129, %dma_wait3A_130] : memref<10000x64xf32, #tpu.memory_space<hbm>> -> memref<80x64xf32, #tpu.memory_space<hbm>>
      %dma_wait3A_132 = arith.constant 0 : i32
      %dma_wait3A_133 = arith.constant 0 : i32
      %dma_wait3A_134 = tpu.memref_slice %arg2[%dma_wait3A_132, %dma_wait3A_133] : memref<10000x64xf32, #tpu.memory_space<hbm>> -> memref<80x64xf32, #tpu.memory_space<hbm>>
      tpu.wait_dma2 semaphore(%arg14 : memref<!tpu.dma_semaphore, #tpu.memory_space<semaphore_mem>>) src(%dma_wait3A_134 : memref<80x64xf32, #tpu.memory_space<hbm>>) dst(%arg7 : memref<80x64xf32, #tpu.memory_space<vmem>>)
      %add3A_135 = arith.constant 0 : i32
      %add3A_136 = arith.addi %mul3A_128, %add3A_135 : i32
      %dma_start3A_137 = arith.constant 0 : i32
      %dma_start3A_138 = tpu.memref_slice %arg6[%add3A_136, %dma_start3A_137] : memref<125x80xi32, #tpu.memory_space<vmem>> -> memref<1x80xi32, #tpu.memory_space<vmem>>
      %dma_start3A_139 = tpu.memref_squeeze %dma_start3A_138 : memref<1x80xi32, #tpu.memory_space<vmem>> -> memref<80xi32, #tpu.memory_space<vmem>>
      %dma_start3A_140 = arith.constant 0 : i32
      %dma_start3A_141 = arith.constant 0 : i32
      %dma_start3A_142 = tpu.memref_slice %arg13[%dma_start3A_140, %dma_start3A_141] : memref<10000x64xf32, #tpu.memory_space<vmem_shared>> -> memref<10000x64xf32, #tpu.memory_space<vmem_shared>>
      tpu.enqueue_indirect_dma source(%arg7 : memref<80x64xf32, #tpu.memory_space<vmem>>) target(%dma_start3A_142 : memref<10000x64xf32, #tpu.memory_space<vmem_shared>>) offsets(%dma_start3A_139 : memref<80xi32, #tpu.memory_space<vmem>>) semaphore(%arg19 : memref<!tpu.dma_semaphore, #tpu.memory_space<semaphore_mem>>) {add = true}
      %dma_wait3A_143 = arith.constant 0 : i32
      %dma_wait3A_144 = arith.constant 0 : i32
      %dma_wait3A_145 = tpu.memref_slice %arg2[%dma_wait3A_143, %dma_wait3A_144] : memref<10000x64xf32, #tpu.memory_space<hbm>> -> memref<80x64xf32, #tpu.memory_space<hbm>>
      %dma_wait3A_146 = arith.constant 0 : i32
      %dma_wait3A_147 = arith.constant 0 : i32
      %dma_wait3A_148 = tpu.memref_slice %arg2[%dma_wait3A_146, %dma_wait3A_147] : memref<10000x64xf32, #tpu.memory_space<hbm>> -> memref<80x64xf32, #tpu.memory_space<hbm>>
      tpu.wait_dma2 semaphore(%arg15 : memref<!tpu.dma_semaphore, #tpu.memory_space<semaphore_mem>>) src(%dma_wait3A_148 : memref<80x64xf32, #tpu.memory_space<hbm>>) dst(%arg8 : memref<80x64xf32, #tpu.memory_space<vmem>>)
      %add3A_149 = arith.constant 1 : i32
      %add3A_150 = arith.addi %mul3A_128, %add3A_149 : i32
      %dma_start3A_151 = arith.constant 0 : i32
      %dma_start3A_152 = tpu.memref_slice %arg6[%add3A_150, %dma_start3A_151] : memref<125x80xi32, #tpu.memory_space<vmem>> -> memref<1x80xi32, #tpu.memory_space<vmem>>
      %dma_start3A_153 = tpu.memref_squeeze %dma_start3A_152 : memref<1x80xi32, #tpu.memory_space<vmem>> -> memref<80xi32, #tpu.memory_space<vmem>>
      %dma_start3A_154 = arith.constant 0 : i32
      %dma_start3A_155 = arith.constant 0 : i32
      %dma_start3A_156 = tpu.memref_slice %arg13[%dma_start3A_154, %dma_start3A_155] : memref<10000x64xf32, #tpu.memory_space<vmem_shared>> -> memref<10000x64xf32, #tpu.memory_space<vmem_shared>>
      tpu.enqueue_indirect_dma source(%arg8 : memref<80x64xf32, #tpu.memory_space<vmem>>) target(%dma_start3A_156 : memref<10000x64xf32, #tpu.memory_space<vmem_shared>>) offsets(%dma_start3A_153 : memref<80xi32, #tpu.memory_space<vmem>>) semaphore(%arg20 : memref<!tpu.dma_semaphore, #tpu.memory_space<semaphore_mem>>) {add = true}
      %dma_wait3A_157 = arith.constant 0 : i32
      %dma_wait3A_158 = arith.constant 0 : i32
      %dma_wait3A_159 = tpu.memref_slice %arg2[%dma_wait3A_157, %dma_wait3A_158] : memref<10000x64xf32, #tpu.memory_space<hbm>> -> memref<80x64xf32, #tpu.memory_space<hbm>>
      %dma_wait3A_160 = arith.constant 0 : i32
      %dma_wait3A_161 = arith.constant 0 : i32
      %dma_wait3A_162 = tpu.memref_slice %arg2[%dma_wait3A_160, %dma_wait3A_161] : memref<10000x64xf32, #tpu.memory_space<hbm>> -> memref<80x64xf32, #tpu.memory_space<hbm>>
      tpu.wait_dma2 semaphore(%arg16 : memref<!tpu.dma_semaphore, #tpu.memory_space<semaphore_mem>>) src(%dma_wait3A_162 : memref<80x64xf32, #tpu.memory_space<hbm>>) dst(%arg9 : memref<80x64xf32, #tpu.memory_space<vmem>>)
      %add3A_163 = arith.constant 2 : i32
      %add3A_164 = arith.addi %mul3A_128, %add3A_163 : i32
      %dma_start3A_165 = arith.constant 0 : i32
      %dma_start3A_166 = tpu.memref_slice %arg6[%add3A_164, %dma_start3A_165] : memref<125x80xi32, #tpu.memory_space<vmem>> -> memref<1x80xi32, #tpu.memory_space<vmem>>
      %dma_start3A_167 = tpu.memref_squeeze %dma_start3A_166 : memref<1x80xi32, #tpu.memory_space<vmem>> -> memref<80xi32, #tpu.memory_space<vmem>>
      %dma_start3A_168 = arith.constant 0 : i32
      %dma_start3A_169 = arith.constant 0 : i32
      %dma_start3A_170 = tpu.memref_slice %arg13[%dma_start3A_168, %dma_start3A_169] : memref<10000x64xf32, #tpu.memory_space<vmem_shared>> -> memref<10000x64xf32, #tpu.memory_space<vmem_shared>>
      tpu.enqueue_indirect_dma source(%arg9 : memref<80x64xf32, #tpu.memory_space<vmem>>) target(%dma_start3A_170 : memref<10000x64xf32, #tpu.memory_space<vmem_shared>>) offsets(%dma_start3A_167 : memref<80xi32, #tpu.memory_space<vmem>>) semaphore(%arg21 : memref<!tpu.dma_semaphore, #tpu.memory_space<semaphore_mem>>) {add = true}
      %dma_wait3A_171 = arith.constant 0 : i32
      %dma_wait3A_172 = arith.constant 0 : i32
      %dma_wait3A_173 = tpu.memref_slice %arg2[%dma_wait3A_171, %dma_wait3A_172] : memref<10000x64xf32, #tpu.memory_space<hbm>> -> memref<80x64xf32, #tpu.memory_space<hbm>>
      %dma_wait3A_174 = arith.constant 0 : i32
      %dma_wait3A_175 = arith.constant 0 : i32
      %dma_wait3A_176 = tpu.memref_slice %arg2[%dma_wait3A_174, %dma_wait3A_175] : memref<10000x64xf32, #tpu.memory_space<hbm>> -> memref<80x64xf32, #tpu.memory_space<hbm>>
      tpu.wait_dma2 semaphore(%arg17 : memref<!tpu.dma_semaphore, #tpu.memory_space<semaphore_mem>>) src(%dma_wait3A_176 : memref<80x64xf32, #tpu.memory_space<hbm>>) dst(%arg10 : memref<80x64xf32, #tpu.memory_space<vmem>>)
      %add3A_177 = arith.constant 3 : i32
      %add3A_178 = arith.addi %mul3A_128, %add3A_177 : i32
      %dma_start3A_179 = arith.constant 0 : i32
      %dma_start3A_180 = tpu.memref_slice %arg6[%add3A_178, %dma_start3A_179] : memref<125x80xi32, #tpu.memory_space<vmem>> -> memref<1x80xi32, #tpu.memory_space<vmem>>
      %dma_start3A_181 = tpu.memref_squeeze %dma_start3A_180 : memref<1x80xi32, #tpu.memory_space<vmem>> -> memref<80xi32, #tpu.memory_space<vmem>>
      %dma_start3A_182 = arith.constant 0 : i32
      %dma_start3A_183 = arith.constant 0 : i32
      %dma_start3A_184 = tpu.memref_slice %arg13[%dma_start3A_182, %dma_start3A_183] : memref<10000x64xf32, #tpu.memory_space<vmem_shared>> -> memref<10000x64xf32, #tpu.memory_space<vmem_shared>>
      tpu.enqueue_indirect_dma source(%arg10 : memref<80x64xf32, #tpu.memory_space<vmem>>) target(%dma_start3A_184 : memref<10000x64xf32, #tpu.memory_space<vmem_shared>>) offsets(%dma_start3A_181 : memref<80xi32, #tpu.memory_space<vmem>>) semaphore(%arg22 : memref<!tpu.dma_semaphore, #tpu.memory_space<semaphore_mem>>) {add = true}
      %dma_wait3A_185 = arith.constant 0 : i32
      %dma_wait3A_186 = arith.constant 0 : i32
      %dma_wait3A_187 = tpu.memref_slice %arg2[%dma_wait3A_185, %dma_wait3A_186] : memref<10000x64xf32, #tpu.memory_space<hbm>> -> memref<80x64xf32, #tpu.memory_space<hbm>>
      %dma_wait3A_188 = arith.constant 0 : i32
      %dma_wait3A_189 = arith.constant 0 : i32
      %dma_wait3A_190 = tpu.memref_slice %arg2[%dma_wait3A_188, %dma_wait3A_189] : memref<10000x64xf32, #tpu.memory_space<hbm>> -> memref<80x64xf32, #tpu.memory_space<hbm>>
      tpu.wait_dma2 semaphore(%arg18 : memref<!tpu.dma_semaphore, #tpu.memory_space<semaphore_mem>>) src(%dma_wait3A_190 : memref<80x64xf32, #tpu.memory_space<hbm>>) dst(%arg11 : memref<80x64xf32, #tpu.memory_space<vmem>>)
      %add3A_191 = arith.constant 4 : i32
      %add3A_192 = arith.addi %mul3A_128, %add3A_191 : i32
      %dma_start3A_193 = arith.constant 0 : i32
      %dma_start3A_194 = tpu.memref_slice %arg6[%add3A_192, %dma_start3A_193] : memref<125x80xi32, #tpu.memory_space<vmem>> -> memref<1x80xi32, #tpu.memory_space<vmem>>
      %dma_start3A_195 = tpu.memref_squeeze %dma_start3A_194 : memref<1x80xi32, #tpu.memory_space<vmem>> -> memref<80xi32, #tpu.memory_space<vmem>>
      %dma_start3A_196 = arith.constant 0 : i32
      %dma_start3A_197 = arith.constant 0 : i32
      %dma_start3A_198 = tpu.memref_slice %arg13[%dma_start3A_196, %dma_start3A_197] : memref<10000x64xf32, #tpu.memory_space<vmem_shared>> -> memref<10000x64xf32, #tpu.memory_space<vmem_shared>>
      tpu.enqueue_indirect_dma source(%arg11 : memref<80x64xf32, #tpu.memory_space<vmem>>) target(%dma_start3A_198 : memref<10000x64xf32, #tpu.memory_space<vmem_shared>>) offsets(%dma_start3A_195 : memref<80xi32, #tpu.memory_space<vmem>>) semaphore(%arg23 : memref<!tpu.dma_semaphore, #tpu.memory_space<semaphore_mem>>) {add = true}
      %lt3A = arith.constant 24 : i32
      %lt3A_199 = arith.cmpi slt, %scan3A_126, %lt3A : i32
      %convert_element_type3A = arith.extui %lt3A_199 : i1 to i32
      %cond3A = arith.constant 0 : i32
      %cond3A_200 = arith.cmpi ne, %convert_element_type3A, %cond3A : i32
      scf.if %cond3A_200 {
        %dma_wait3A_221 = arith.constant 0 : i32
        %dma_wait3A_222 = arith.constant 0 : i32
        %dma_wait3A_223 = tpu.memref_slice %arg13[%dma_wait3A_221, %dma_wait3A_222] : memref<10000x64xf32, #tpu.memory_space<vmem_shared>> -> memref<80x64xf32, #tpu.memory_space<vmem_shared>>
        %dma_wait3A_224 = arith.constant 0 : i32
        %dma_wait3A_225 = arith.constant 0 : i32
        %dma_wait3A_226 = tpu.memref_slice %arg13[%dma_wait3A_224, %dma_wait3A_225] : memref<10000x64xf32, #tpu.memory_space<vmem_shared>> -> memref<80x64xf32, #tpu.memory_space<vmem_shared>>
        tpu.wait_dma2 semaphore(%arg19 : memref<!tpu.dma_semaphore, #tpu.memory_space<semaphore_mem>>) src(%arg7 : memref<80x64xf32, #tpu.memory_space<vmem>>) dst(%dma_wait3A_226 : memref<80x64xf32, #tpu.memory_space<vmem_shared>>)
        %add3A_227 = arith.constant 5 : i32
        %add3A_228 = arith.addi %mul3A_128, %add3A_227 : i32
        %add3A_229 = arith.constant 0 : i32
        %add3A_230 = arith.addi %add3A_228, %add3A_229 : i32
        %dma_start3A_231 = arith.constant 0 : i32
        %dma_start3A_232 = tpu.memref_slice %arg5[%add3A_230, %dma_start3A_231] : memref<125x80xi32, #tpu.memory_space<vmem>> -> memref<1x80xi32, #tpu.memory_space<vmem>>
        %dma_start3A_233 = tpu.memref_squeeze %dma_start3A_232 : memref<1x80xi32, #tpu.memory_space<vmem>> -> memref<80xi32, #tpu.memory_space<vmem>>
        %dma_start3A_234 = arith.constant 0 : i32
        %dma_start3A_235 = arith.constant 0 : i32
        %dma_start3A_236 = tpu.memref_slice %arg2[%dma_start3A_234, %dma_start3A_235] : memref<10000x64xf32, #tpu.memory_space<hbm>> -> memref<10000x64xf32, #tpu.memory_space<hbm>>
        tpu.enqueue_indirect_dma source(%dma_start3A_236 : memref<10000x64xf32, #tpu.memory_space<hbm>>) target(%arg7 : memref<80x64xf32, #tpu.memory_space<vmem>>) offsets(%dma_start3A_233 : memref<80xi32, #tpu.memory_space<vmem>>) semaphore(%arg14 : memref<!tpu.dma_semaphore, #tpu.memory_space<semaphore_mem>>)
      } else {
      }
      %lt3A_201 = arith.constant 24 : i32
      %lt3A_202 = arith.cmpi slt, %scan3A_126, %lt3A_201 : i32
      %convert_element_type3A_203 = arith.extui %lt3A_202 : i1 to i32
      %cond3A_204 = arith.constant 0 : i32
      %cond3A_205 = arith.cmpi ne, %convert_element_type3A_203, %cond3A_204 : i32
      scf.if %cond3A_205 {
        %dma_wait3A_221 = arith.constant 0 : i32
        %dma_wait3A_222 = arith.constant 0 : i32
        %dma_wait3A_223 = tpu.memref_slice %arg13[%dma_wait3A_221, %dma_wait3A_222] : memref<10000x64xf32, #tpu.memory_space<vmem_shared>> -> memref<80x64xf32, #tpu.memory_space<vmem_shared>>
        %dma_wait3A_224 = arith.constant 0 : i32
        %dma_wait3A_225 = arith.constant 0 : i32
        %dma_wait3A_226 = tpu.memref_slice %arg13[%dma_wait3A_224, %dma_wait3A_225] : memref<10000x64xf32, #tpu.memory_space<vmem_shared>> -> memref<80x64xf32, #tpu.memory_space<vmem_shared>>
        tpu.wait_dma2 semaphore(%arg20 : memref<!tpu.dma_semaphore, #tpu.memory_space<semaphore_mem>>) src(%arg8 : memref<80x64xf32, #tpu.memory_space<vmem>>) dst(%dma_wait3A_226 : memref<80x64xf32, #tpu.memory_space<vmem_shared>>)
        %add3A_227 = arith.constant 5 : i32
        %add3A_228 = arith.addi %mul3A_128, %add3A_227 : i32
        %add3A_229 = arith.constant 1 : i32
        %add3A_230 = arith.addi %add3A_228, %add3A_229 : i32
        %dma_start3A_231 = arith.constant 0 : i32
        %dma_start3A_232 = tpu.memref_slice %arg5[%add3A_230, %dma_start3A_231] : memref<125x80xi32, #tpu.memory_space<vmem>> -> memref<1x80xi32, #tpu.memory_space<vmem>>
        %dma_start3A_233 = tpu.memref_squeeze %dma_start3A_232 : memref<1x80xi32, #tpu.memory_space<vmem>> -> memref<80xi32, #tpu.memory_space<vmem>>
        %dma_start3A_234 = arith.constant 0 : i32
        %dma_start3A_235 = arith.constant 0 : i32
        %dma_start3A_236 = tpu.memref_slice %arg2[%dma_start3A_234, %dma_start3A_235] : memref<10000x64xf32, #tpu.memory_space<hbm>> -> memref<10000x64xf32, #tpu.memory_space<hbm>>
        tpu.enqueue_indirect_dma source(%dma_start3A_236 : memref<10000x64xf32, #tpu.memory_space<hbm>>) target(%arg8 : memref<80x64xf32, #tpu.memory_space<vmem>>) offsets(%dma_start3A_233 : memref<80xi32, #tpu.memory_space<vmem>>) semaphore(%arg15 : memref<!tpu.dma_semaphore, #tpu.memory_space<semaphore_mem>>)
      } else {
      }
      %lt3A_206 = arith.constant 24 : i32
      %lt3A_207 = arith.cmpi slt, %scan3A_126, %lt3A_206 : i32
      %convert_element_type3A_208 = arith.extui %lt3A_207 : i1 to i32
      %cond3A_209 = arith.constant 0 : i32
      %cond3A_210 = arith.cmpi ne, %convert_element_type3A_208, %cond3A_209 : i32
      scf.if %cond3A_210 {
        %dma_wait3A_221 = arith.constant 0 : i32
        %dma_wait3A_222 = arith.constant 0 : i32
        %dma_wait3A_223 = tpu.memref_slice %arg13[%dma_wait3A_221, %dma_wait3A_222] : memref<10000x64xf32, #tpu.memory_space<vmem_shared>> -> memref<80x64xf32, #tpu.memory_space<vmem_shared>>
        %dma_wait3A_224 = arith.constant 0 : i32
        %dma_wait3A_225 = arith.constant 0 : i32
        %dma_wait3A_226 = tpu.memref_slice %arg13[%dma_wait3A_224, %dma_wait3A_225] : memref<10000x64xf32, #tpu.memory_space<vmem_shared>> -> memref<80x64xf32, #tpu.memory_space<vmem_shared>>
        tpu.wait_dma2 semaphore(%arg21 : memref<!tpu.dma_semaphore, #tpu.memory_space<semaphore_mem>>) src(%arg9 : memref<80x64xf32, #tpu.memory_space<vmem>>) dst(%dma_wait3A_226 : memref<80x64xf32, #tpu.memory_space<vmem_shared>>)
        %add3A_227 = arith.constant 5 : i32
        %add3A_228 = arith.addi %mul3A_128, %add3A_227 : i32
        %add3A_229 = arith.constant 2 : i32
        %add3A_230 = arith.addi %add3A_228, %add3A_229 : i32
        %dma_start3A_231 = arith.constant 0 : i32
        %dma_start3A_232 = tpu.memref_slice %arg5[%add3A_230, %dma_start3A_231] : memref<125x80xi32, #tpu.memory_space<vmem>> -> memref<1x80xi32, #tpu.memory_space<vmem>>
        %dma_start3A_233 = tpu.memref_squeeze %dma_start3A_232 : memref<1x80xi32, #tpu.memory_space<vmem>> -> memref<80xi32, #tpu.memory_space<vmem>>
        %dma_start3A_234 = arith.constant 0 : i32
        %dma_start3A_235 = arith.constant 0 : i32
        %dma_start3A_236 = tpu.memref_slice %arg2[%dma_start3A_234, %dma_start3A_235] : memref<10000x64xf32, #tpu.memory_space<hbm>> -> memref<10000x64xf32, #tpu.memory_space<hbm>>
        tpu.enqueue_indirect_dma source(%dma_start3A_236 : memref<10000x64xf32, #tpu.memory_space<hbm>>) target(%arg9 : memref<80x64xf32, #tpu.memory_space<vmem>>) offsets(%dma_start3A_233 : memref<80xi32, #tpu.memory_space<vmem>>) semaphore(%arg16 : memref<!tpu.dma_semaphore, #tpu.memory_space<semaphore_mem>>)
      } else {
      }
      %lt3A_211 = arith.constant 24 : i32
      %lt3A_212 = arith.cmpi slt, %scan3A_126, %lt3A_211 : i32
      %convert_element_type3A_213 = arith.extui %lt3A_212 : i1 to i32
      %cond3A_214 = arith.constant 0 : i32
      %cond3A_215 = arith.cmpi ne, %convert_element_type3A_213, %cond3A_214 : i32
      scf.if %cond3A_215 {
        %dma_wait3A_221 = arith.constant 0 : i32
        %dma_wait3A_222 = arith.constant 0 : i32
        %dma_wait3A_223 = tpu.memref_slice %arg13[%dma_wait3A_221, %dma_wait3A_222] : memref<10000x64xf32, #tpu.memory_space<vmem_shared>> -> memref<80x64xf32, #tpu.memory_space<vmem_shared>>
        %dma_wait3A_224 = arith.constant 0 : i32
        %dma_wait3A_225 = arith.constant 0 : i32
        %dma_wait3A_226 = tpu.memref_slice %arg13[%dma_wait3A_224, %dma_wait3A_225] : memref<10000x64xf32, #tpu.memory_space<vmem_shared>> -> memref<80x64xf32, #tpu.memory_space<vmem_shared>>
        tpu.wait_dma2 semaphore(%arg22 : memref<!tpu.dma_semaphore, #tpu.memory_space<semaphore_mem>>) src(%arg10 : memref<80x64xf32, #tpu.memory_space<vmem>>) dst(%dma_wait3A_226 : memref<80x64xf32, #tpu.memory_space<vmem_shared>>)
        %add3A_227 = arith.constant 5 : i32
        %add3A_228 = arith.addi %mul3A_128, %add3A_227 : i32
        %add3A_229 = arith.constant 3 : i32
        %add3A_230 = arith.addi %add3A_228, %add3A_229 : i32
        %dma_start3A_231 = arith.constant 0 : i32
        %dma_start3A_232 = tpu.memref_slice %arg5[%add3A_230, %dma_start3A_231] : memref<125x80xi32, #tpu.memory_space<vmem>> -> memref<1x80xi32, #tpu.memory_space<vmem>>
        %dma_start3A_233 = tpu.memref_squeeze %dma_start3A_232 : memref<1x80xi32, #tpu.memory_space<vmem>> -> memref<80xi32, #tpu.memory_space<vmem>>
        %dma_start3A_234 = arith.constant 0 : i32
        %dma_start3A_235 = arith.constant 0 : i32
        %dma_start3A_236 = tpu.memref_slice %arg2[%dma_start3A_234, %dma_start3A_235] : memref<10000x64xf32, #tpu.memory_space<hbm>> -> memref<10000x64xf32, #tpu.memory_space<hbm>>
        tpu.enqueue_indirect_dma source(%dma_start3A_236 : memref<10000x64xf32, #tpu.memory_space<hbm>>) target(%arg10 : memref<80x64xf32, #tpu.memory_space<vmem>>) offsets(%dma_start3A_233 : memref<80xi32, #tpu.memory_space<vmem>>) semaphore(%arg17 : memref<!tpu.dma_semaphore, #tpu.memory_space<semaphore_mem>>)
      } else {
      }
      %lt3A_216 = arith.constant 24 : i32
      %lt3A_217 = arith.cmpi slt, %scan3A_126, %lt3A_216 : i32
      %convert_element_type3A_218 = arith.extui %lt3A_217 : i1 to i32
      %cond3A_219 = arith.constant 0 : i32
      %cond3A_220 = arith.cmpi ne, %convert_element_type3A_218, %cond3A_219 : i32
      scf.if %cond3A_220 {
        %dma_wait3A_221 = arith.constant 0 : i32
        %dma_wait3A_222 = arith.constant 0 : i32
        %dma_wait3A_223 = tpu.memref_slice %arg13[%dma_wait3A_221, %dma_wait3A_222] : memref<10000x64xf32, #tpu.memory_space<vmem_shared>> -> memref<80x64xf32, #tpu.memory_space<vmem_shared>>
        %dma_wait3A_224 = arith.constant 0 : i32
        %dma_wait3A_225 = arith.constant 0 : i32
        %dma_wait3A_226 = tpu.memref_slice %arg13[%dma_wait3A_224, %dma_wait3A_225] : memref<10000x64xf32, #tpu.memory_space<vmem_shared>> -> memref<80x64xf32, #tpu.memory_space<vmem_shared>>
        tpu.wait_dma2 semaphore(%arg23 : memref<!tpu.dma_semaphore, #tpu.memory_space<semaphore_mem>>) src(%arg11 : memref<80x64xf32, #tpu.memory_space<vmem>>) dst(%dma_wait3A_226 : memref<80x64xf32, #tpu.memory_space<vmem_shared>>)
        %add3A_227 = arith.constant 5 : i32
        %add3A_228 = arith.addi %mul3A_128, %add3A_227 : i32
        %add3A_229 = arith.constant 4 : i32
        %add3A_230 = arith.addi %add3A_228, %add3A_229 : i32
        %dma_start3A_231 = arith.constant 0 : i32
        %dma_start3A_232 = tpu.memref_slice %arg5[%add3A_230, %dma_start3A_231] : memref<125x80xi32, #tpu.memory_space<vmem>> -> memref<1x80xi32, #tpu.memory_space<vmem>>
        %dma_start3A_233 = tpu.memref_squeeze %dma_start3A_232 : memref<1x80xi32, #tpu.memory_space<vmem>> -> memref<80xi32, #tpu.memory_space<vmem>>
        %dma_start3A_234 = arith.constant 0 : i32
        %dma_start3A_235 = arith.constant 0 : i32
        %dma_start3A_236 = tpu.memref_slice %arg2[%dma_start3A_234, %dma_start3A_235] : memref<10000x64xf32, #tpu.memory_space<hbm>> -> memref<10000x64xf32, #tpu.memory_space<hbm>>
        tpu.enqueue_indirect_dma source(%dma_start3A_236 : memref<10000x64xf32, #tpu.memory_space<hbm>>) target(%arg11 : memref<80x64xf32, #tpu.memory_space<vmem>>) offsets(%dma_start3A_233 : memref<80xi32, #tpu.memory_space<vmem>>) semaphore(%arg18 : memref<!tpu.dma_semaphore, #tpu.memory_space<semaphore_mem>>)
      } else {
      }
    }
    %scan3A_94 = arith.constant 25 : i32
    %dma_wait3A_95 = arith.constant 0 : i32
    %dma_wait3A_96 = arith.constant 0 : i32
    %dma_wait3A_97 = tpu.memref_slice %arg13[%dma_wait3A_95, %dma_wait3A_96] : memref<10000x64xf32, #tpu.memory_space<vmem_shared>> -> memref<80x64xf32, #tpu.memory_space<vmem_shared>>
    %dma_wait3A_98 = arith.constant 0 : i32
    %dma_wait3A_99 = arith.constant 0 : i32
    %dma_wait3A_100 = tpu.memref_slice %arg13[%dma_wait3A_98, %dma_wait3A_99] : memref<10000x64xf32, #tpu.memory_space<vmem_shared>> -> memref<80x64xf32, #tpu.memory_space<vmem_shared>>
    tpu.wait_dma2 semaphore(%arg19 : memref<!tpu.dma_semaphore, #tpu.memory_space<semaphore_mem>>) src(%arg7 : memref<80x64xf32, #tpu.memory_space<vmem>>) dst(%dma_wait3A_100 : memref<80x64xf32, #tpu.memory_space<vmem_shared>>)
    %dma_wait3A_101 = arith.constant 0 : i32
    %dma_wait3A_102 = arith.constant 0 : i32
    %dma_wait3A_103 = tpu.memref_slice %arg13[%dma_wait3A_101, %dma_wait3A_102] : memref<10000x64xf32, #tpu.memory_space<vmem_shared>> -> memref<80x64xf32, #tpu.memory_space<vmem_shared>>
    %dma_wait3A_104 = arith.constant 0 : i32
    %dma_wait3A_105 = arith.constant 0 : i32
    %dma_wait3A_106 = tpu.memref_slice %arg13[%dma_wait3A_104, %dma_wait3A_105] : memref<10000x64xf32, #tpu.memory_space<vmem_shared>> -> memref<80x64xf32, #tpu.memory_space<vmem_shared>>
    tpu.wait_dma2 semaphore(%arg20 : memref<!tpu.dma_semaphore, #tpu.memory_space<semaphore_mem>>) src(%arg8 : memref<80x64xf32, #tpu.memory_space<vmem>>) dst(%dma_wait3A_106 : memref<80x64xf32, #tpu.memory_space<vmem_shared>>)
    %dma_wait3A_107 = arith.constant 0 : i32
    %dma_wait3A_108 = arith.constant 0 : i32
    %dma_wait3A_109 = tpu.memref_slice %arg13[%dma_wait3A_107, %dma_wait3A_108] : memref<10000x64xf32, #tpu.memory_space<vmem_shared>> -> memref<80x64xf32, #tpu.memory_space<vmem_shared>>
    %dma_wait3A_110 = arith.constant 0 : i32
    %dma_wait3A_111 = arith.constant 0 : i32
    %dma_wait3A_112 = tpu.memref_slice %arg13[%dma_wait3A_110, %dma_wait3A_111] : memref<10000x64xf32, #tpu.memory_space<vmem_shared>> -> memref<80x64xf32, #tpu.memory_space<vmem_shared>>
    tpu.wait_dma2 semaphore(%arg21 : memref<!tpu.dma_semaphore, #tpu.memory_space<semaphore_mem>>) src(%arg9 : memref<80x64xf32, #tpu.memory_space<vmem>>) dst(%dma_wait3A_112 : memref<80x64xf32, #tpu.memory_space<vmem_shared>>)
    %dma_wait3A_113 = arith.constant 0 : i32
    %dma_wait3A_114 = arith.constant 0 : i32
    %dma_wait3A_115 = tpu.memref_slice %arg13[%dma_wait3A_113, %dma_wait3A_114] : memref<10000x64xf32, #tpu.memory_space<vmem_shared>> -> memref<80x64xf32, #tpu.memory_space<vmem_shared>>
    %dma_wait3A_116 = arith.constant 0 : i32
    %dma_wait3A_117 = arith.constant 0 : i32
    %dma_wait3A_118 = tpu.memref_slice %arg13[%dma_wait3A_116, %dma_wait3A_117] : memref<10000x64xf32, #tpu.memory_space<vmem_shared>> -> memref<80x64xf32, #tpu.memory_space<vmem_shared>>
    tpu.wait_dma2 semaphore(%arg22 : memref<!tpu.dma_semaphore, #tpu.memory_space<semaphore_mem>>) src(%arg10 : memref<80x64xf32, #tpu.memory_space<vmem>>) dst(%dma_wait3A_118 : memref<80x64xf32, #tpu.memory_space<vmem_shared>>)
    %dma_wait3A_119 = arith.constant 0 : i32
    %dma_wait3A_120 = arith.constant 0 : i32
    %dma_wait3A_121 = tpu.memref_slice %arg13[%dma_wait3A_119, %dma_wait3A_120] : memref<10000x64xf32, #tpu.memory_space<vmem_shared>> -> memref<80x64xf32, #tpu.memory_space<vmem_shared>>
    %dma_wait3A_122 = arith.constant 0 : i32
    %dma_wait3A_123 = arith.constant 0 : i32
    %dma_wait3A_124 = tpu.memref_slice %arg13[%dma_wait3A_122, %dma_wait3A_123] : memref<10000x64xf32, #tpu.memory_space<vmem_shared>> -> memref<80x64xf32, #tpu.memory_space<vmem_shared>>
    tpu.wait_dma2 semaphore(%arg23 : memref<!tpu.dma_semaphore, #tpu.memory_space<semaphore_mem>>) src(%arg11 : memref<80x64xf32, #tpu.memory_space<vmem>>) dst(%dma_wait3A_124 : memref<80x64xf32, #tpu.memory_space<vmem_shared>>)
    %barrier3A_125 = arith.constant 0 : index
    tpu.barrier barrier_id(%barrier3A_125)
    "tpu.region"() ({
      %run_scoped3A = tpu.sem_alloc : memref<!tpu.dma_semaphore, #tpu.memory_space<semaphore_mem>>
      %dma_start3A_126 = arith.constant 0 : i32
      %dma_start3A_127 = tpu.memref_slice %arg4[%arg0, %mul3A_2, %dma_start3A_126] : memref<2x10000x64xf32, #tpu.memory_space<hbm>> -> memref<1x625x64xf32, #tpu.memory_space<hbm>>
      %dma_start3A_128 = tpu.memref_squeeze %dma_start3A_127 : memref<1x625x64xf32, #tpu.memory_space<hbm>> -> memref<625x64xf32, #tpu.memory_space<hbm>>
      %dma_start3A_129 = arith.constant 0 : i32
      %dma_start3A_130 = tpu.memref_slice %arg13[%mul3A_2, %dma_start3A_129] : memref<10000x64xf32, #tpu.memory_space<vmem_shared>> -> memref<625x64xf32, #tpu.memory_space<vmem_shared>>
      tpu.enqueue_dma source(%dma_start3A_130 : memref<625x64xf32, #tpu.memory_space<vmem_shared>>) target(%dma_start3A_128 : memref<625x64xf32, #tpu.memory_space<hbm>>) target_semaphore(%run_scoped3A : memref<!tpu.dma_semaphore, #tpu.memory_space<semaphore_mem>>)
      %dma_wait3A_131 = arith.constant 0 : i32
      %dma_wait3A_132 = tpu.memref_slice %arg4[%arg0, %mul3A_2, %dma_wait3A_131] : memref<2x10000x64xf32, #tpu.memory_space<hbm>> -> memref<1x625x64xf32, #tpu.memory_space<hbm>>
      %dma_wait3A_133 = tpu.memref_squeeze %dma_wait3A_132 : memref<1x625x64xf32, #tpu.memory_space<hbm>> -> memref<625x64xf32, #tpu.memory_space<hbm>>
      %dma_wait3A_134 = arith.constant 0 : i32
      %dma_wait3A_135 = tpu.memref_slice %arg13[%mul3A_2, %dma_wait3A_134] : memref<10000x64xf32, #tpu.memory_space<vmem_shared>> -> memref<625x64xf32, #tpu.memory_space<vmem_shared>>
      tpu.wait_dma2 semaphore(%run_scoped3A : memref<!tpu.dma_semaphore, #tpu.memory_space<semaphore_mem>>) src(%dma_wait3A_135 : memref<625x64xf32, #tpu.memory_space<vmem_shared>>) dst(%dma_wait3A_133 : memref<625x64xf32, #tpu.memory_space<hbm>>)
      tpu.yield
    }) : () -> ()
    return
  }
}

#map = affine_map<(d0, d1) -> (0, 0)>
#map1 = affine_map<(d0, d1) -> (0, 0, 0)>
module attributes {stable_mosaic.version = 14 : i64} {
  func.func @segsum(%arg0: i32, %arg1: i32, %arg2: memref<10000x128xf32, #tpu.memory_space<hbm>>, %arg3: memref<2x8000x40xi32, #tpu.memory_space<hbm>>, %arg4: memref<2x10000x128xf32, #tpu.memory_space<hbm>>, %arg5: memref<250x40xi32, #tpu.memory_space<vmem>>, %arg6: memref<250x40xi32, #tpu.memory_space<vmem>>, %arg7: memref<40x128xf32, #tpu.memory_space<vmem>>, %arg8: memref<40x128xf32, #tpu.memory_space<vmem>>, %arg9: memref<40x128xf32, #tpu.memory_space<vmem>>, %arg10: memref<40x128xf32, #tpu.memory_space<vmem>>, %arg11: memref<40x128xf32, #tpu.memory_space<vmem>>, %arg12: memref<25x128xf32, #tpu.memory_space<vmem>>, %arg13: memref<10000x128xf32, #tpu.memory_space<vmem_shared>>, %arg14: memref<!tpu.dma_semaphore, #tpu.memory_space<semaphore_mem>>, %arg15: memref<!tpu.dma_semaphore, #tpu.memory_space<semaphore_mem>>, %arg16: memref<!tpu.dma_semaphore, #tpu.memory_space<semaphore_mem>>, %arg17: memref<!tpu.dma_semaphore, #tpu.memory_space<semaphore_mem>>, %arg18: memref<!tpu.dma_semaphore, #tpu.memory_space<semaphore_mem>>, %arg19: memref<!tpu.dma_semaphore, #tpu.memory_space<semaphore_mem>>, %arg20: memref<!tpu.dma_semaphore, #tpu.memory_space<semaphore_mem>>, %arg21: memref<!tpu.dma_semaphore, #tpu.memory_space<semaphore_mem>>, %arg22: memref<!tpu.dma_semaphore, #tpu.memory_space<semaphore_mem>>, %arg23: memref<!tpu.dma_semaphore, #tpu.memory_space<semaphore_mem>>) attributes {dimension_semantics = [#tpu.dimension_semantics<core_parallel>, #tpu.dimension_semantics<subcore_parallel>], iteration_bounds = array<i64: 2, 16>, scalar_prefetch = 0 : i64, scratch_operands = 19 : i64, tpu.core_type = #tpu.core_type<sc_vector_subcore>, window_params = [{transform_indices = #map}, {transform_indices = #map1}, {transform_indices = #map1}]} {
    %mul3A = arith.constant 2 : i32
    %mul3A_0 = arith.muli %arg1, %mul3A : i32
    %add3A = arith.addi %mul3A_0, %arg0 : i32
    %mul3A_1 = arith.constant 625 : i32
    %mul3A_2 = arith.muli %arg1, %mul3A_1 : i32
    %mul3A_3 = arith.constant 250 : i32
    %mul3A_4 = arith.muli %add3A, %mul3A_3 : i32
    %dma_start3A = arith.constant 0 : i32
    %dma_start3A_5 = arith.constant 0 : i32
    %dma_start3A_6 = tpu.memref_slice %arg3[%dma_start3A, %mul3A_4, %dma_start3A_5] : memref<2x8000x40xi32, #tpu.memory_space<hbm>> -> memref<1x250x40xi32, #tpu.memory_space<hbm>>
    %dma_start3A_7 = tpu.memref_squeeze %dma_start3A_6 : memref<1x250x40xi32, #tpu.memory_space<hbm>> -> memref<250x40xi32, #tpu.memory_space<hbm>>
    %dma_start3A_8 = arith.constant 0 : i32
    %dma_start3A_9 = tpu.memref_slice %arg3[%dma_start3A, %mul3A_4, %dma_start3A_8] : memref<2x8000x40xi32, #tpu.memory_space<hbm>> -> memref<1x250x40xi32, #tpu.memory_space<hbm>>
    %dma_start3A_10 = tpu.memref_squeeze %dma_start3A_9 : memref<1x250x40xi32, #tpu.memory_space<hbm>> -> memref<250x40xi32, #tpu.memory_space<hbm>>
    tpu.enqueue_dma source(%dma_start3A_10 : memref<250x40xi32, #tpu.memory_space<hbm>>) target(%arg5 : memref<250x40xi32, #tpu.memory_space<vmem>>) target_semaphore(%arg14 : memref<!tpu.dma_semaphore, #tpu.memory_space<semaphore_mem>>)
    %mul3A_11 = arith.constant 250 : i32
    %mul3A_12 = arith.muli %add3A, %mul3A_11 : i32
    %dma_start3A_13 = arith.constant 1 : i32
    %dma_start3A_14 = arith.constant 0 : i32
    %dma_start3A_15 = tpu.memref_slice %arg3[%dma_start3A_13, %mul3A_12, %dma_start3A_14] : memref<2x8000x40xi32, #tpu.memory_space<hbm>> -> memref<1x250x40xi32, #tpu.memory_space<hbm>>
    %dma_start3A_16 = tpu.memref_squeeze %dma_start3A_15 : memref<1x250x40xi32, #tpu.memory_space<hbm>> -> memref<250x40xi32, #tpu.memory_space<hbm>>
    %dma_start3A_17 = arith.constant 0 : i32
    %dma_start3A_18 = tpu.memref_slice %arg3[%dma_start3A_13, %mul3A_12, %dma_start3A_17] : memref<2x8000x40xi32, #tpu.memory_space<hbm>> -> memref<1x250x40xi32, #tpu.memory_space<hbm>>
    %dma_start3A_19 = tpu.memref_squeeze %dma_start3A_18 : memref<1x250x40xi32, #tpu.memory_space<hbm>> -> memref<250x40xi32, #tpu.memory_space<hbm>>
    tpu.enqueue_dma source(%dma_start3A_19 : memref<250x40xi32, #tpu.memory_space<hbm>>) target(%arg6 : memref<250x40xi32, #tpu.memory_space<vmem>>) target_semaphore(%arg15 : memref<!tpu.dma_semaphore, #tpu.memory_space<semaphore_mem>>)
    %scan3A = arith.constant 0 : i32
    %scan3A_20 = arith.constant 0 : i32
    %scan3A_21 = arith.constant 25 : i32
    %scan3A_22 = arith.addi %scan3A_20, %scan3A_21 : i32
    %scan3A_23 = arith.constant 1 : i32
    scf.for %scan3A_126 = %scan3A_20 to %scan3A_22 step %scan3A_23  : i32 {
      %scan3A_127 = arith.constant 0 : i32
      %scan3A_128 = arith.constant 8 : i32
      %scan3A_129 = arith.addi %scan3A_127, %scan3A_128 : i32
      %scan3A_130 = arith.constant 1 : i32
      scf.for %scan3A_132 = %scan3A_127 to %scan3A_129 step %scan3A_130  : i32 {
        %broadcast_in_dim3A = arith.constant 0.000000e+00 : f32
        %broadcast_in_dim3A_133 = vector.broadcast %broadcast_in_dim3A : f32 to vector<16xf32>
        %mul3A_134 = arith.constant 16 : i32
        %mul3A_135 = arith.muli %scan3A_132, %mul3A_134 : i32
        %swap3A = arith.index_cast %scan3A_126 : i32 to index
        %swap3A_136 = arith.index_cast %mul3A_135 : i32 to index
        %swap3A_137 = tpu.vector_load %arg12[%swap3A, %swap3A_136] {strides = array<i32>} : memref<25x128xf32, #tpu.memory_space<vmem>>, vector<1x16xf32>,
        %swap3A_138 = vector.shape_cast %swap3A_137 : vector<1x16xf32> to vector<16xf32>
        %swap3A_139 = vector.shape_cast %broadcast_in_dim3A_133 : vector<16xf32> to vector<1x16xf32>
        tpu.vector_store %arg12[%swap3A, %swap3A_136], %swap3A_139 {strides = array<i32>} : memref<25x128xf32, #tpu.memory_space<vmem>>, vector<1x16xf32>,
      }
      %scan3A_131 = arith.constant 8 : i32
    }
    %scan3A_24 = arith.constant 25 : i32
    %scan3A_25 = arith.constant 0 : i32
    %scan3A_26 = arith.constant 0 : i32
    %scan3A_27 = arith.constant 25 : i32
    %scan3A_28 = arith.addi %scan3A_26, %scan3A_27 : i32
    %scan3A_29 = arith.constant 1 : i32
    scf.for %scan3A_126 = %scan3A_26 to %scan3A_28 step %scan3A_29  : i32 {
      %mul3A_127 = arith.constant 25 : i32
      %mul3A_128 = arith.muli %scan3A_126, %mul3A_127 : i32
      %add3A_129 = arith.addi %mul3A_2, %mul3A_128 : i32
      %dma_start3A_130 = arith.constant 0 : i32
      %dma_start3A_131 = tpu.memref_slice %arg13[%add3A_129, %dma_start3A_130] : memref<10000x128xf32, #tpu.memory_space<vmem_shared>> -> memref<25x128xf32, #tpu.memory_space<vmem_shared>>
      %dma_start3A_132 = arith.constant 0 : i32
      %dma_start3A_133 = tpu.memref_slice %arg13[%add3A_129, %dma_start3A_132] : memref<10000x128xf32, #tpu.memory_space<vmem_shared>> -> memref<25x128xf32, #tpu.memory_space<vmem_shared>>
      tpu.enqueue_dma source(%arg12 : memref<25x128xf32, #tpu.memory_space<vmem>>) target(%dma_start3A_133 : memref<25x128xf32, #tpu.memory_space<vmem_shared>>) target_semaphore(%arg19 : memref<!tpu.dma_semaphore, #tpu.memory_space<semaphore_mem>>)
    }
    %scan3A_30 = arith.constant 25 : i32
    %dma_wait3A = arith.constant 0 : i32
    %dma_wait3A_31 = arith.constant 0 : i32
    %dma_wait3A_32 = arith.constant 0 : i32
    %dma_wait3A_33 = tpu.memref_slice %arg3[%dma_wait3A, %dma_wait3A_31, %dma_wait3A_32] : memref<2x8000x40xi32, #tpu.memory_space<hbm>> -> memref<1x250x40xi32, #tpu.memory_space<hbm>>
    %dma_wait3A_34 = tpu.memref_squeeze %dma_wait3A_33 : memref<1x250x40xi32, #tpu.memory_space<hbm>> -> memref<250x40xi32, #tpu.memory_space<hbm>>
    %dma_wait3A_35 = arith.constant 0 : i32
    %dma_wait3A_36 = arith.constant 0 : i32
    %dma_wait3A_37 = tpu.memref_slice %arg3[%dma_wait3A, %dma_wait3A_35, %dma_wait3A_36] : memref<2x8000x40xi32, #tpu.memory_space<hbm>> -> memref<1x250x40xi32, #tpu.memory_space<hbm>>
    %dma_wait3A_38 = tpu.memref_squeeze %dma_wait3A_37 : memref<1x250x40xi32, #tpu.memory_space<hbm>> -> memref<250x40xi32, #tpu.memory_space<hbm>>
    tpu.wait_dma2 semaphore(%arg14 : memref<!tpu.dma_semaphore, #tpu.memory_space<semaphore_mem>>) src(%dma_wait3A_38 : memref<250x40xi32, #tpu.memory_space<hbm>>) dst(%arg5 : memref<250x40xi32, #tpu.memory_space<vmem>>)
    %dma_wait3A_39 = arith.constant 0 : i32
    %dma_wait3A_40 = arith.constant 0 : i32
    %dma_wait3A_41 = arith.constant 0 : i32
    %dma_wait3A_42 = tpu.memref_slice %arg3[%dma_wait3A_39, %dma_wait3A_40, %dma_wait3A_41] : memref<2x8000x40xi32, #tpu.memory_space<hbm>> -> memref<1x250x40xi32, #tpu.memory_space<hbm>>
    %dma_wait3A_43 = tpu.memref_squeeze %dma_wait3A_42 : memref<1x250x40xi32, #tpu.memory_space<hbm>> -> memref<250x40xi32, #tpu.memory_space<hbm>>
    %dma_wait3A_44 = arith.constant 0 : i32
    %dma_wait3A_45 = arith.constant 0 : i32
    %dma_wait3A_46 = tpu.memref_slice %arg3[%dma_wait3A_39, %dma_wait3A_44, %dma_wait3A_45] : memref<2x8000x40xi32, #tpu.memory_space<hbm>> -> memref<1x250x40xi32, #tpu.memory_space<hbm>>
    %dma_wait3A_47 = tpu.memref_squeeze %dma_wait3A_46 : memref<1x250x40xi32, #tpu.memory_space<hbm>> -> memref<250x40xi32, #tpu.memory_space<hbm>>
    tpu.wait_dma2 semaphore(%arg15 : memref<!tpu.dma_semaphore, #tpu.memory_space<semaphore_mem>>) src(%dma_wait3A_47 : memref<250x40xi32, #tpu.memory_space<hbm>>) dst(%arg6 : memref<250x40xi32, #tpu.memory_space<vmem>>)
    %dma_start3A_48 = arith.constant 0 : i32
    %dma_start3A_49 = arith.constant 0 : i32
    %dma_start3A_50 = tpu.memref_slice %arg5[%dma_start3A_48, %dma_start3A_49] : memref<250x40xi32, #tpu.memory_space<vmem>> -> memref<1x40xi32, #tpu.memory_space<vmem>>
    %dma_start3A_51 = tpu.memref_squeeze %dma_start3A_50 : memref<1x40xi32, #tpu.memory_space<vmem>> -> memref<40xi32, #tpu.memory_space<vmem>>
    %dma_start3A_52 = arith.constant 0 : i32
    %dma_start3A_53 = arith.constant 0 : i32
    %dma_start3A_54 = tpu.memref_slice %arg2[%dma_start3A_52, %dma_start3A_53] : memref<10000x128xf32, #tpu.memory_space<hbm>> -> memref<10000x128xf32, #tpu.memory_space<hbm>>
    tpu.enqueue_indirect_dma source(%dma_start3A_54 : memref<10000x128xf32, #tpu.memory_space<hbm>>) target(%arg7 : memref<40x128xf32, #tpu.memory_space<vmem>>) offsets(%dma_start3A_51 : memref<40xi32, #tpu.memory_space<vmem>>) semaphore(%arg14 : memref<!tpu.dma_semaphore, #tpu.memory_space<semaphore_mem>>)
    %dma_start3A_55 = arith.constant 1 : i32
    %dma_start3A_56 = arith.constant 0 : i32
    %dma_start3A_57 = tpu.memref_slice %arg5[%dma_start3A_55, %dma_start3A_56] : memref<250x40xi32, #tpu.memory_space<vmem>> -> memref<1x40xi32, #tpu.memory_space<vmem>>
    %dma_start3A_58 = tpu.memref_squeeze %dma_start3A_57 : memref<1x40xi32, #tpu.memory_space<vmem>> -> memref<40xi32, #tpu.memory_space<vmem>>
    %dma_start3A_59 = arith.constant 0 : i32
    %dma_start3A_60 = arith.constant 0 : i32
    %dma_start3A_61 = tpu.memref_slice %arg2[%dma_start3A_59, %dma_start3A_60] : memref<10000x128xf32, #tpu.memory_space<hbm>> -> memref<10000x128xf32, #tpu.memory_space<hbm>>
    tpu.enqueue_indirect_dma source(%dma_start3A_61 : memref<10000x128xf32, #tpu.memory_space<hbm>>) target(%arg8 : memref<40x128xf32, #tpu.memory_space<vmem>>) offsets(%dma_start3A_58 : memref<40xi32, #tpu.memory_space<vmem>>) semaphore(%arg15 : memref<!tpu.dma_semaphore, #tpu.memory_space<semaphore_mem>>)
    %dma_start3A_62 = arith.constant 2 : i32
    %dma_start3A_63 = arith.constant 0 : i32
    %dma_start3A_64 = tpu.memref_slice %arg5[%dma_start3A_62, %dma_start3A_63] : memref<250x40xi32, #tpu.memory_space<vmem>> -> memref<1x40xi32, #tpu.memory_space<vmem>>
    %dma_start3A_65 = tpu.memref_squeeze %dma_start3A_64 : memref<1x40xi32, #tpu.memory_space<vmem>> -> memref<40xi32, #tpu.memory_space<vmem>>
    %dma_start3A_66 = arith.constant 0 : i32
    %dma_start3A_67 = arith.constant 0 : i32
    %dma_start3A_68 = tpu.memref_slice %arg2[%dma_start3A_66, %dma_start3A_67] : memref<10000x128xf32, #tpu.memory_space<hbm>> -> memref<10000x128xf32, #tpu.memory_space<hbm>>
    tpu.enqueue_indirect_dma source(%dma_start3A_68 : memref<10000x128xf32, #tpu.memory_space<hbm>>) target(%arg9 : memref<40x128xf32, #tpu.memory_space<vmem>>) offsets(%dma_start3A_65 : memref<40xi32, #tpu.memory_space<vmem>>) semaphore(%arg16 : memref<!tpu.dma_semaphore, #tpu.memory_space<semaphore_mem>>)
    %dma_start3A_69 = arith.constant 3 : i32
    %dma_start3A_70 = arith.constant 0 : i32
    %dma_start3A_71 = tpu.memref_slice %arg5[%dma_start3A_69, %dma_start3A_70] : memref<250x40xi32, #tpu.memory_space<vmem>> -> memref<1x40xi32, #tpu.memory_space<vmem>>
    %dma_start3A_72 = tpu.memref_squeeze %dma_start3A_71 : memref<1x40xi32, #tpu.memory_space<vmem>> -> memref<40xi32, #tpu.memory_space<vmem>>
    %dma_start3A_73 = arith.constant 0 : i32
    %dma_start3A_74 = arith.constant 0 : i32
    %dma_start3A_75 = tpu.memref_slice %arg2[%dma_start3A_73, %dma_start3A_74] : memref<10000x128xf32, #tpu.memory_space<hbm>> -> memref<10000x128xf32, #tpu.memory_space<hbm>>
    tpu.enqueue_indirect_dma source(%dma_start3A_75 : memref<10000x128xf32, #tpu.memory_space<hbm>>) target(%arg10 : memref<40x128xf32, #tpu.memory_space<vmem>>) offsets(%dma_start3A_72 : memref<40xi32, #tpu.memory_space<vmem>>) semaphore(%arg17 : memref<!tpu.dma_semaphore, #tpu.memory_space<semaphore_mem>>)
    %dma_start3A_76 = arith.constant 4 : i32
    %dma_start3A_77 = arith.constant 0 : i32
    %dma_start3A_78 = tpu.memref_slice %arg5[%dma_start3A_76, %dma_start3A_77] : memref<250x40xi32, #tpu.memory_space<vmem>> -> memref<1x40xi32, #tpu.memory_space<vmem>>
    %dma_start3A_79 = tpu.memref_squeeze %dma_start3A_78 : memref<1x40xi32, #tpu.memory_space<vmem>> -> memref<40xi32, #tpu.memory_space<vmem>>
    %dma_start3A_80 = arith.constant 0 : i32
    %dma_start3A_81 = arith.constant 0 : i32
    %dma_start3A_82 = tpu.memref_slice %arg2[%dma_start3A_80, %dma_start3A_81] : memref<10000x128xf32, #tpu.memory_space<hbm>> -> memref<10000x128xf32, #tpu.memory_space<hbm>>
    tpu.enqueue_indirect_dma source(%dma_start3A_82 : memref<10000x128xf32, #tpu.memory_space<hbm>>) target(%arg11 : memref<40x128xf32, #tpu.memory_space<vmem>>) offsets(%dma_start3A_79 : memref<40xi32, #tpu.memory_space<vmem>>) semaphore(%arg18 : memref<!tpu.dma_semaphore, #tpu.memory_space<semaphore_mem>>)
    %scan3A_83 = arith.constant 0 : i32
    %scan3A_84 = arith.constant 0 : i32
    %scan3A_85 = arith.constant 25 : i32
    %scan3A_86 = arith.addi %scan3A_84, %scan3A_85 : i32
    %scan3A_87 = arith.constant 1 : i32
    scf.for %scan3A_126 = %scan3A_84 to %scan3A_86 step %scan3A_87  : i32 {
      %dma_wait3A_127 = arith.constant 0 : i32
      %dma_wait3A_128 = tpu.memref_slice %arg13[%mul3A_2, %dma_wait3A_127] : memref<10000x128xf32, #tpu.memory_space<vmem_shared>> -> memref<25x128xf32, #tpu.memory_space<vmem_shared>>
      %dma_wait3A_129 = arith.constant 0 : i32
      %dma_wait3A_130 = tpu.memref_slice %arg13[%mul3A_2, %dma_wait3A_129] : memref<10000x128xf32, #tpu.memory_space<vmem_shared>> -> memref<25x128xf32, #tpu.memory_space<vmem_shared>>
      tpu.wait_dma2 semaphore(%arg19 : memref<!tpu.dma_semaphore, #tpu.memory_space<semaphore_mem>>) src(%arg12 : memref<25x128xf32, #tpu.memory_space<vmem>>) dst(%dma_wait3A_130 : memref<25x128xf32, #tpu.memory_space<vmem_shared>>)
    }
    %scan3A_88 = arith.constant 25 : i32
    %barrier3A = arith.constant 0 : index
    tpu.barrier barrier_id(%barrier3A)
    %scan3A_89 = arith.constant 0 : i32
    %scan3A_90 = arith.constant 0 : i32
    %scan3A_91 = arith.constant 50 : i32
    %scan3A_92 = arith.addi %scan3A_90, %scan3A_91 : i32
    %scan3A_93 = arith.constant 1 : i32
    scf.for %scan3A_126 = %scan3A_90 to %scan3A_92 step %scan3A_93  : i32 {
      %mul3A_127 = arith.constant 5 : i32
      %mul3A_128 = arith.muli %scan3A_126, %mul3A_127 : i32
      %dma_wait3A_129 = arith.constant 0 : i32
      %dma_wait3A_130 = arith.constant 0 : i32
      %dma_wait3A_131 = tpu.memref_slice %arg2[%dma_wait3A_129, %dma_wait3A_130] : memref<10000x128xf32, #tpu.memory_space<hbm>> -> memref<40x128xf32, #tpu.memory_space<hbm>>
      %dma_wait3A_132 = arith.constant 0 : i32
      %dma_wait3A_133 = arith.constant 0 : i32
      %dma_wait3A_134 = tpu.memref_slice %arg2[%dma_wait3A_132, %dma_wait3A_133] : memref<10000x128xf32, #tpu.memory_space<hbm>> -> memref<40x128xf32, #tpu.memory_space<hbm>>
      tpu.wait_dma2 semaphore(%arg14 : memref<!tpu.dma_semaphore, #tpu.memory_space<semaphore_mem>>) src(%dma_wait3A_134 : memref<40x128xf32, #tpu.memory_space<hbm>>) dst(%arg7 : memref<40x128xf32, #tpu.memory_space<vmem>>)
      %add3A_135 = arith.constant 0 : i32
      %add3A_136 = arith.addi %mul3A_128, %add3A_135 : i32
      %dma_start3A_137 = arith.constant 0 : i32
      %dma_start3A_138 = tpu.memref_slice %arg6[%add3A_136, %dma_start3A_137] : memref<250x40xi32, #tpu.memory_space<vmem>> -> memref<1x40xi32, #tpu.memory_space<vmem>>
      %dma_start3A_139 = tpu.memref_squeeze %dma_start3A_138 : memref<1x40xi32, #tpu.memory_space<vmem>> -> memref<40xi32, #tpu.memory_space<vmem>>
      %dma_start3A_140 = arith.constant 0 : i32
      %dma_start3A_141 = arith.constant 0 : i32
      %dma_start3A_142 = tpu.memref_slice %arg13[%dma_start3A_140, %dma_start3A_141] : memref<10000x128xf32, #tpu.memory_space<vmem_shared>> -> memref<10000x128xf32, #tpu.memory_space<vmem_shared>>
      tpu.enqueue_indirect_dma source(%arg7 : memref<40x128xf32, #tpu.memory_space<vmem>>) target(%dma_start3A_142 : memref<10000x128xf32, #tpu.memory_space<vmem_shared>>) offsets(%dma_start3A_139 : memref<40xi32, #tpu.memory_space<vmem>>) semaphore(%arg19 : memref<!tpu.dma_semaphore, #tpu.memory_space<semaphore_mem>>) {add = true}
      %dma_wait3A_143 = arith.constant 0 : i32
      %dma_wait3A_144 = arith.constant 0 : i32
      %dma_wait3A_145 = tpu.memref_slice %arg2[%dma_wait3A_143, %dma_wait3A_144] : memref<10000x128xf32, #tpu.memory_space<hbm>> -> memref<40x128xf32, #tpu.memory_space<hbm>>
      %dma_wait3A_146 = arith.constant 0 : i32
      %dma_wait3A_147 = arith.constant 0 : i32
      %dma_wait3A_148 = tpu.memref_slice %arg2[%dma_wait3A_146, %dma_wait3A_147] : memref<10000x128xf32, #tpu.memory_space<hbm>> -> memref<40x128xf32, #tpu.memory_space<hbm>>
      tpu.wait_dma2 semaphore(%arg15 : memref<!tpu.dma_semaphore, #tpu.memory_space<semaphore_mem>>) src(%dma_wait3A_148 : memref<40x128xf32, #tpu.memory_space<hbm>>) dst(%arg8 : memref<40x128xf32, #tpu.memory_space<vmem>>)
      %add3A_149 = arith.constant 1 : i32
      %add3A_150 = arith.addi %mul3A_128, %add3A_149 : i32
      %dma_start3A_151 = arith.constant 0 : i32
      %dma_start3A_152 = tpu.memref_slice %arg6[%add3A_150, %dma_start3A_151] : memref<250x40xi32, #tpu.memory_space<vmem>> -> memref<1x40xi32, #tpu.memory_space<vmem>>
      %dma_start3A_153 = tpu.memref_squeeze %dma_start3A_152 : memref<1x40xi32, #tpu.memory_space<vmem>> -> memref<40xi32, #tpu.memory_space<vmem>>
      %dma_start3A_154 = arith.constant 0 : i32
      %dma_start3A_155 = arith.constant 0 : i32
      %dma_start3A_156 = tpu.memref_slice %arg13[%dma_start3A_154, %dma_start3A_155] : memref<10000x128xf32, #tpu.memory_space<vmem_shared>> -> memref<10000x128xf32, #tpu.memory_space<vmem_shared>>
      tpu.enqueue_indirect_dma source(%arg8 : memref<40x128xf32, #tpu.memory_space<vmem>>) target(%dma_start3A_156 : memref<10000x128xf32, #tpu.memory_space<vmem_shared>>) offsets(%dma_start3A_153 : memref<40xi32, #tpu.memory_space<vmem>>) semaphore(%arg20 : memref<!tpu.dma_semaphore, #tpu.memory_space<semaphore_mem>>) {add = true}
      %dma_wait3A_157 = arith.constant 0 : i32
      %dma_wait3A_158 = arith.constant 0 : i32
      %dma_wait3A_159 = tpu.memref_slice %arg2[%dma_wait3A_157, %dma_wait3A_158] : memref<10000x128xf32, #tpu.memory_space<hbm>> -> memref<40x128xf32, #tpu.memory_space<hbm>>
      %dma_wait3A_160 = arith.constant 0 : i32
      %dma_wait3A_161 = arith.constant 0 : i32
      %dma_wait3A_162 = tpu.memref_slice %arg2[%dma_wait3A_160, %dma_wait3A_161] : memref<10000x128xf32, #tpu.memory_space<hbm>> -> memref<40x128xf32, #tpu.memory_space<hbm>>
      tpu.wait_dma2 semaphore(%arg16 : memref<!tpu.dma_semaphore, #tpu.memory_space<semaphore_mem>>) src(%dma_wait3A_162 : memref<40x128xf32, #tpu.memory_space<hbm>>) dst(%arg9 : memref<40x128xf32, #tpu.memory_space<vmem>>)
      %add3A_163 = arith.constant 2 : i32
      %add3A_164 = arith.addi %mul3A_128, %add3A_163 : i32
      %dma_start3A_165 = arith.constant 0 : i32
      %dma_start3A_166 = tpu.memref_slice %arg6[%add3A_164, %dma_start3A_165] : memref<250x40xi32, #tpu.memory_space<vmem>> -> memref<1x40xi32, #tpu.memory_space<vmem>>
      %dma_start3A_167 = tpu.memref_squeeze %dma_start3A_166 : memref<1x40xi32, #tpu.memory_space<vmem>> -> memref<40xi32, #tpu.memory_space<vmem>>
      %dma_start3A_168 = arith.constant 0 : i32
      %dma_start3A_169 = arith.constant 0 : i32
      %dma_start3A_170 = tpu.memref_slice %arg13[%dma_start3A_168, %dma_start3A_169] : memref<10000x128xf32, #tpu.memory_space<vmem_shared>> -> memref<10000x128xf32, #tpu.memory_space<vmem_shared>>
      tpu.enqueue_indirect_dma source(%arg9 : memref<40x128xf32, #tpu.memory_space<vmem>>) target(%dma_start3A_170 : memref<10000x128xf32, #tpu.memory_space<vmem_shared>>) offsets(%dma_start3A_167 : memref<40xi32, #tpu.memory_space<vmem>>) semaphore(%arg21 : memref<!tpu.dma_semaphore, #tpu.memory_space<semaphore_mem>>) {add = true}
      %dma_wait3A_171 = arith.constant 0 : i32
      %dma_wait3A_172 = arith.constant 0 : i32
      %dma_wait3A_173 = tpu.memref_slice %arg2[%dma_wait3A_171, %dma_wait3A_172] : memref<10000x128xf32, #tpu.memory_space<hbm>> -> memref<40x128xf32, #tpu.memory_space<hbm>>
      %dma_wait3A_174 = arith.constant 0 : i32
      %dma_wait3A_175 = arith.constant 0 : i32
      %dma_wait3A_176 = tpu.memref_slice %arg2[%dma_wait3A_174, %dma_wait3A_175] : memref<10000x128xf32, #tpu.memory_space<hbm>> -> memref<40x128xf32, #tpu.memory_space<hbm>>
      tpu.wait_dma2 semaphore(%arg17 : memref<!tpu.dma_semaphore, #tpu.memory_space<semaphore_mem>>) src(%dma_wait3A_176 : memref<40x128xf32, #tpu.memory_space<hbm>>) dst(%arg10 : memref<40x128xf32, #tpu.memory_space<vmem>>)
      %add3A_177 = arith.constant 3 : i32
      %add3A_178 = arith.addi %mul3A_128, %add3A_177 : i32
      %dma_start3A_179 = arith.constant 0 : i32
      %dma_start3A_180 = tpu.memref_slice %arg6[%add3A_178, %dma_start3A_179] : memref<250x40xi32, #tpu.memory_space<vmem>> -> memref<1x40xi32, #tpu.memory_space<vmem>>
      %dma_start3A_181 = tpu.memref_squeeze %dma_start3A_180 : memref<1x40xi32, #tpu.memory_space<vmem>> -> memref<40xi32, #tpu.memory_space<vmem>>
      %dma_start3A_182 = arith.constant 0 : i32
      %dma_start3A_183 = arith.constant 0 : i32
      %dma_start3A_184 = tpu.memref_slice %arg13[%dma_start3A_182, %dma_start3A_183] : memref<10000x128xf32, #tpu.memory_space<vmem_shared>> -> memref<10000x128xf32, #tpu.memory_space<vmem_shared>>
      tpu.enqueue_indirect_dma source(%arg10 : memref<40x128xf32, #tpu.memory_space<vmem>>) target(%dma_start3A_184 : memref<10000x128xf32, #tpu.memory_space<vmem_shared>>) offsets(%dma_start3A_181 : memref<40xi32, #tpu.memory_space<vmem>>) semaphore(%arg22 : memref<!tpu.dma_semaphore, #tpu.memory_space<semaphore_mem>>) {add = true}
      %dma_wait3A_185 = arith.constant 0 : i32
      %dma_wait3A_186 = arith.constant 0 : i32
      %dma_wait3A_187 = tpu.memref_slice %arg2[%dma_wait3A_185, %dma_wait3A_186] : memref<10000x128xf32, #tpu.memory_space<hbm>> -> memref<40x128xf32, #tpu.memory_space<hbm>>
      %dma_wait3A_188 = arith.constant 0 : i32
      %dma_wait3A_189 = arith.constant 0 : i32
      %dma_wait3A_190 = tpu.memref_slice %arg2[%dma_wait3A_188, %dma_wait3A_189] : memref<10000x128xf32, #tpu.memory_space<hbm>> -> memref<40x128xf32, #tpu.memory_space<hbm>>
      tpu.wait_dma2 semaphore(%arg18 : memref<!tpu.dma_semaphore, #tpu.memory_space<semaphore_mem>>) src(%dma_wait3A_190 : memref<40x128xf32, #tpu.memory_space<hbm>>) dst(%arg11 : memref<40x128xf32, #tpu.memory_space<vmem>>)
      %add3A_191 = arith.constant 4 : i32
      %add3A_192 = arith.addi %mul3A_128, %add3A_191 : i32
      %dma_start3A_193 = arith.constant 0 : i32
      %dma_start3A_194 = tpu.memref_slice %arg6[%add3A_192, %dma_start3A_193] : memref<250x40xi32, #tpu.memory_space<vmem>> -> memref<1x40xi32, #tpu.memory_space<vmem>>
      %dma_start3A_195 = tpu.memref_squeeze %dma_start3A_194 : memref<1x40xi32, #tpu.memory_space<vmem>> -> memref<40xi32, #tpu.memory_space<vmem>>
      %dma_start3A_196 = arith.constant 0 : i32
      %dma_start3A_197 = arith.constant 0 : i32
      %dma_start3A_198 = tpu.memref_slice %arg13[%dma_start3A_196, %dma_start3A_197] : memref<10000x128xf32, #tpu.memory_space<vmem_shared>> -> memref<10000x128xf32, #tpu.memory_space<vmem_shared>>
      tpu.enqueue_indirect_dma source(%arg11 : memref<40x128xf32, #tpu.memory_space<vmem>>) target(%dma_start3A_198 : memref<10000x128xf32, #tpu.memory_space<vmem_shared>>) offsets(%dma_start3A_195 : memref<40xi32, #tpu.memory_space<vmem>>) semaphore(%arg23 : memref<!tpu.dma_semaphore, #tpu.memory_space<semaphore_mem>>) {add = true}
      %lt3A = arith.constant 49 : i32
      %lt3A_199 = arith.cmpi slt, %scan3A_126, %lt3A : i32
      %convert_element_type3A = arith.extui %lt3A_199 : i1 to i32
      %cond3A = arith.constant 0 : i32
      %cond3A_200 = arith.cmpi ne, %convert_element_type3A, %cond3A : i32
      scf.if %cond3A_200 {
        %dma_wait3A_221 = arith.constant 0 : i32
        %dma_wait3A_222 = arith.constant 0 : i32
        %dma_wait3A_223 = tpu.memref_slice %arg13[%dma_wait3A_221, %dma_wait3A_222] : memref<10000x128xf32, #tpu.memory_space<vmem_shared>> -> memref<40x128xf32, #tpu.memory_space<vmem_shared>>
        %dma_wait3A_224 = arith.constant 0 : i32
        %dma_wait3A_225 = arith.constant 0 : i32
        %dma_wait3A_226 = tpu.memref_slice %arg13[%dma_wait3A_224, %dma_wait3A_225] : memref<10000x128xf32, #tpu.memory_space<vmem_shared>> -> memref<40x128xf32, #tpu.memory_space<vmem_shared>>
        tpu.wait_dma2 semaphore(%arg19 : memref<!tpu.dma_semaphore, #tpu.memory_space<semaphore_mem>>) src(%arg7 : memref<40x128xf32, #tpu.memory_space<vmem>>) dst(%dma_wait3A_226 : memref<40x128xf32, #tpu.memory_space<vmem_shared>>)
        %add3A_227 = arith.constant 5 : i32
        %add3A_228 = arith.addi %mul3A_128, %add3A_227 : i32
        %add3A_229 = arith.constant 0 : i32
        %add3A_230 = arith.addi %add3A_228, %add3A_229 : i32
        %dma_start3A_231 = arith.constant 0 : i32
        %dma_start3A_232 = tpu.memref_slice %arg5[%add3A_230, %dma_start3A_231] : memref<250x40xi32, #tpu.memory_space<vmem>> -> memref<1x40xi32, #tpu.memory_space<vmem>>
        %dma_start3A_233 = tpu.memref_squeeze %dma_start3A_232 : memref<1x40xi32, #tpu.memory_space<vmem>> -> memref<40xi32, #tpu.memory_space<vmem>>
        %dma_start3A_234 = arith.constant 0 : i32
        %dma_start3A_235 = arith.constant 0 : i32
        %dma_start3A_236 = tpu.memref_slice %arg2[%dma_start3A_234, %dma_start3A_235] : memref<10000x128xf32, #tpu.memory_space<hbm>> -> memref<10000x128xf32, #tpu.memory_space<hbm>>
        tpu.enqueue_indirect_dma source(%dma_start3A_236 : memref<10000x128xf32, #tpu.memory_space<hbm>>) target(%arg7 : memref<40x128xf32, #tpu.memory_space<vmem>>) offsets(%dma_start3A_233 : memref<40xi32, #tpu.memory_space<vmem>>) semaphore(%arg14 : memref<!tpu.dma_semaphore, #tpu.memory_space<semaphore_mem>>)
      } else {
      }
      %lt3A_201 = arith.constant 49 : i32
      %lt3A_202 = arith.cmpi slt, %scan3A_126, %lt3A_201 : i32
      %convert_element_type3A_203 = arith.extui %lt3A_202 : i1 to i32
      %cond3A_204 = arith.constant 0 : i32
      %cond3A_205 = arith.cmpi ne, %convert_element_type3A_203, %cond3A_204 : i32
      scf.if %cond3A_205 {
        %dma_wait3A_221 = arith.constant 0 : i32
        %dma_wait3A_222 = arith.constant 0 : i32
        %dma_wait3A_223 = tpu.memref_slice %arg13[%dma_wait3A_221, %dma_wait3A_222] : memref<10000x128xf32, #tpu.memory_space<vmem_shared>> -> memref<40x128xf32, #tpu.memory_space<vmem_shared>>
        %dma_wait3A_224 = arith.constant 0 : i32
        %dma_wait3A_225 = arith.constant 0 : i32
        %dma_wait3A_226 = tpu.memref_slice %arg13[%dma_wait3A_224, %dma_wait3A_225] : memref<10000x128xf32, #tpu.memory_space<vmem_shared>> -> memref<40x128xf32, #tpu.memory_space<vmem_shared>>
        tpu.wait_dma2 semaphore(%arg20 : memref<!tpu.dma_semaphore, #tpu.memory_space<semaphore_mem>>) src(%arg8 : memref<40x128xf32, #tpu.memory_space<vmem>>) dst(%dma_wait3A_226 : memref<40x128xf32, #tpu.memory_space<vmem_shared>>)
        %add3A_227 = arith.constant 5 : i32
        %add3A_228 = arith.addi %mul3A_128, %add3A_227 : i32
        %add3A_229 = arith.constant 1 : i32
        %add3A_230 = arith.addi %add3A_228, %add3A_229 : i32
        %dma_start3A_231 = arith.constant 0 : i32
        %dma_start3A_232 = tpu.memref_slice %arg5[%add3A_230, %dma_start3A_231] : memref<250x40xi32, #tpu.memory_space<vmem>> -> memref<1x40xi32, #tpu.memory_space<vmem>>
        %dma_start3A_233 = tpu.memref_squeeze %dma_start3A_232 : memref<1x40xi32, #tpu.memory_space<vmem>> -> memref<40xi32, #tpu.memory_space<vmem>>
        %dma_start3A_234 = arith.constant 0 : i32
        %dma_start3A_235 = arith.constant 0 : i32
        %dma_start3A_236 = tpu.memref_slice %arg2[%dma_start3A_234, %dma_start3A_235] : memref<10000x128xf32, #tpu.memory_space<hbm>> -> memref<10000x128xf32, #tpu.memory_space<hbm>>
        tpu.enqueue_indirect_dma source(%dma_start3A_236 : memref<10000x128xf32, #tpu.memory_space<hbm>>) target(%arg8 : memref<40x128xf32, #tpu.memory_space<vmem>>) offsets(%dma_start3A_233 : memref<40xi32, #tpu.memory_space<vmem>>) semaphore(%arg15 : memref<!tpu.dma_semaphore, #tpu.memory_space<semaphore_mem>>)
      } else {
      }
      %lt3A_206 = arith.constant 49 : i32
      %lt3A_207 = arith.cmpi slt, %scan3A_126, %lt3A_206 : i32
      %convert_element_type3A_208 = arith.extui %lt3A_207 : i1 to i32
      %cond3A_209 = arith.constant 0 : i32
      %cond3A_210 = arith.cmpi ne, %convert_element_type3A_208, %cond3A_209 : i32
      scf.if %cond3A_210 {
        %dma_wait3A_221 = arith.constant 0 : i32
        %dma_wait3A_222 = arith.constant 0 : i32
        %dma_wait3A_223 = tpu.memref_slice %arg13[%dma_wait3A_221, %dma_wait3A_222] : memref<10000x128xf32, #tpu.memory_space<vmem_shared>> -> memref<40x128xf32, #tpu.memory_space<vmem_shared>>
        %dma_wait3A_224 = arith.constant 0 : i32
        %dma_wait3A_225 = arith.constant 0 : i32
        %dma_wait3A_226 = tpu.memref_slice %arg13[%dma_wait3A_224, %dma_wait3A_225] : memref<10000x128xf32, #tpu.memory_space<vmem_shared>> -> memref<40x128xf32, #tpu.memory_space<vmem_shared>>
        tpu.wait_dma2 semaphore(%arg21 : memref<!tpu.dma_semaphore, #tpu.memory_space<semaphore_mem>>) src(%arg9 : memref<40x128xf32, #tpu.memory_space<vmem>>) dst(%dma_wait3A_226 : memref<40x128xf32, #tpu.memory_space<vmem_shared>>)
        %add3A_227 = arith.constant 5 : i32
        %add3A_228 = arith.addi %mul3A_128, %add3A_227 : i32
        %add3A_229 = arith.constant 2 : i32
        %add3A_230 = arith.addi %add3A_228, %add3A_229 : i32
        %dma_start3A_231 = arith.constant 0 : i32
        %dma_start3A_232 = tpu.memref_slice %arg5[%add3A_230, %dma_start3A_231] : memref<250x40xi32, #tpu.memory_space<vmem>> -> memref<1x40xi32, #tpu.memory_space<vmem>>
        %dma_start3A_233 = tpu.memref_squeeze %dma_start3A_232 : memref<1x40xi32, #tpu.memory_space<vmem>> -> memref<40xi32, #tpu.memory_space<vmem>>
        %dma_start3A_234 = arith.constant 0 : i32
        %dma_start3A_235 = arith.constant 0 : i32
        %dma_start3A_236 = tpu.memref_slice %arg2[%dma_start3A_234, %dma_start3A_235] : memref<10000x128xf32, #tpu.memory_space<hbm>> -> memref<10000x128xf32, #tpu.memory_space<hbm>>
        tpu.enqueue_indirect_dma source(%dma_start3A_236 : memref<10000x128xf32, #tpu.memory_space<hbm>>) target(%arg9 : memref<40x128xf32, #tpu.memory_space<vmem>>) offsets(%dma_start3A_233 : memref<40xi32, #tpu.memory_space<vmem>>) semaphore(%arg16 : memref<!tpu.dma_semaphore, #tpu.memory_space<semaphore_mem>>)
      } else {
      }
      %lt3A_211 = arith.constant 49 : i32
      %lt3A_212 = arith.cmpi slt, %scan3A_126, %lt3A_211 : i32
      %convert_element_type3A_213 = arith.extui %lt3A_212 : i1 to i32
      %cond3A_214 = arith.constant 0 : i32
      %cond3A_215 = arith.cmpi ne, %convert_element_type3A_213, %cond3A_214 : i32
      scf.if %cond3A_215 {
        %dma_wait3A_221 = arith.constant 0 : i32
        %dma_wait3A_222 = arith.constant 0 : i32
        %dma_wait3A_223 = tpu.memref_slice %arg13[%dma_wait3A_221, %dma_wait3A_222] : memref<10000x128xf32, #tpu.memory_space<vmem_shared>> -> memref<40x128xf32, #tpu.memory_space<vmem_shared>>
        %dma_wait3A_224 = arith.constant 0 : i32
        %dma_wait3A_225 = arith.constant 0 : i32
        %dma_wait3A_226 = tpu.memref_slice %arg13[%dma_wait3A_224, %dma_wait3A_225] : memref<10000x128xf32, #tpu.memory_space<vmem_shared>> -> memref<40x128xf32, #tpu.memory_space<vmem_shared>>
        tpu.wait_dma2 semaphore(%arg22 : memref<!tpu.dma_semaphore, #tpu.memory_space<semaphore_mem>>) src(%arg10 : memref<40x128xf32, #tpu.memory_space<vmem>>) dst(%dma_wait3A_226 : memref<40x128xf32, #tpu.memory_space<vmem_shared>>)
        %add3A_227 = arith.constant 5 : i32
        %add3A_228 = arith.addi %mul3A_128, %add3A_227 : i32
        %add3A_229 = arith.constant 3 : i32
        %add3A_230 = arith.addi %add3A_228, %add3A_229 : i32
        %dma_start3A_231 = arith.constant 0 : i32
        %dma_start3A_232 = tpu.memref_slice %arg5[%add3A_230, %dma_start3A_231] : memref<250x40xi32, #tpu.memory_space<vmem>> -> memref<1x40xi32, #tpu.memory_space<vmem>>
        %dma_start3A_233 = tpu.memref_squeeze %dma_start3A_232 : memref<1x40xi32, #tpu.memory_space<vmem>> -> memref<40xi32, #tpu.memory_space<vmem>>
        %dma_start3A_234 = arith.constant 0 : i32
        %dma_start3A_235 = arith.constant 0 : i32
        %dma_start3A_236 = tpu.memref_slice %arg2[%dma_start3A_234, %dma_start3A_235] : memref<10000x128xf32, #tpu.memory_space<hbm>> -> memref<10000x128xf32, #tpu.memory_space<hbm>>
        tpu.enqueue_indirect_dma source(%dma_start3A_236 : memref<10000x128xf32, #tpu.memory_space<hbm>>) target(%arg10 : memref<40x128xf32, #tpu.memory_space<vmem>>) offsets(%dma_start3A_233 : memref<40xi32, #tpu.memory_space<vmem>>) semaphore(%arg17 : memref<!tpu.dma_semaphore, #tpu.memory_space<semaphore_mem>>)
      } else {
      }
      %lt3A_216 = arith.constant 49 : i32
      %lt3A_217 = arith.cmpi slt, %scan3A_126, %lt3A_216 : i32
      %convert_element_type3A_218 = arith.extui %lt3A_217 : i1 to i32
      %cond3A_219 = arith.constant 0 : i32
      %cond3A_220 = arith.cmpi ne, %convert_element_type3A_218, %cond3A_219 : i32
      scf.if %cond3A_220 {
        %dma_wait3A_221 = arith.constant 0 : i32
        %dma_wait3A_222 = arith.constant 0 : i32
        %dma_wait3A_223 = tpu.memref_slice %arg13[%dma_wait3A_221, %dma_wait3A_222] : memref<10000x128xf32, #tpu.memory_space<vmem_shared>> -> memref<40x128xf32, #tpu.memory_space<vmem_shared>>
        %dma_wait3A_224 = arith.constant 0 : i32
        %dma_wait3A_225 = arith.constant 0 : i32
        %dma_wait3A_226 = tpu.memref_slice %arg13[%dma_wait3A_224, %dma_wait3A_225] : memref<10000x128xf32, #tpu.memory_space<vmem_shared>> -> memref<40x128xf32, #tpu.memory_space<vmem_shared>>
        tpu.wait_dma2 semaphore(%arg23 : memref<!tpu.dma_semaphore, #tpu.memory_space<semaphore_mem>>) src(%arg11 : memref<40x128xf32, #tpu.memory_space<vmem>>) dst(%dma_wait3A_226 : memref<40x128xf32, #tpu.memory_space<vmem_shared>>)
        %add3A_227 = arith.constant 5 : i32
        %add3A_228 = arith.addi %mul3A_128, %add3A_227 : i32
        %add3A_229 = arith.constant 4 : i32
        %add3A_230 = arith.addi %add3A_228, %add3A_229 : i32
        %dma_start3A_231 = arith.constant 0 : i32
        %dma_start3A_232 = tpu.memref_slice %arg5[%add3A_230, %dma_start3A_231] : memref<250x40xi32, #tpu.memory_space<vmem>> -> memref<1x40xi32, #tpu.memory_space<vmem>>
        %dma_start3A_233 = tpu.memref_squeeze %dma_start3A_232 : memref<1x40xi32, #tpu.memory_space<vmem>> -> memref<40xi32, #tpu.memory_space<vmem>>
        %dma_start3A_234 = arith.constant 0 : i32
        %dma_start3A_235 = arith.constant 0 : i32
        %dma_start3A_236 = tpu.memref_slice %arg2[%dma_start3A_234, %dma_start3A_235] : memref<10000x128xf32, #tpu.memory_space<hbm>> -> memref<10000x128xf32, #tpu.memory_space<hbm>>
        tpu.enqueue_indirect_dma source(%dma_start3A_236 : memref<10000x128xf32, #tpu.memory_space<hbm>>) target(%arg11 : memref<40x128xf32, #tpu.memory_space<vmem>>) offsets(%dma_start3A_233 : memref<40xi32, #tpu.memory_space<vmem>>) semaphore(%arg18 : memref<!tpu.dma_semaphore, #tpu.memory_space<semaphore_mem>>)
      } else {
      }
    }
    %scan3A_94 = arith.constant 50 : i32
    %dma_wait3A_95 = arith.constant 0 : i32
    %dma_wait3A_96 = arith.constant 0 : i32
    %dma_wait3A_97 = tpu.memref_slice %arg13[%dma_wait3A_95, %dma_wait3A_96] : memref<10000x128xf32, #tpu.memory_space<vmem_shared>> -> memref<40x128xf32, #tpu.memory_space<vmem_shared>>
    %dma_wait3A_98 = arith.constant 0 : i32
    %dma_wait3A_99 = arith.constant 0 : i32
    %dma_wait3A_100 = tpu.memref_slice %arg13[%dma_wait3A_98, %dma_wait3A_99] : memref<10000x128xf32, #tpu.memory_space<vmem_shared>> -> memref<40x128xf32, #tpu.memory_space<vmem_shared>>
    tpu.wait_dma2 semaphore(%arg19 : memref<!tpu.dma_semaphore, #tpu.memory_space<semaphore_mem>>) src(%arg7 : memref<40x128xf32, #tpu.memory_space<vmem>>) dst(%dma_wait3A_100 : memref<40x128xf32, #tpu.memory_space<vmem_shared>>)
    %dma_wait3A_101 = arith.constant 0 : i32
    %dma_wait3A_102 = arith.constant 0 : i32
    %dma_wait3A_103 = tpu.memref_slice %arg13[%dma_wait3A_101, %dma_wait3A_102] : memref<10000x128xf32, #tpu.memory_space<vmem_shared>> -> memref<40x128xf32, #tpu.memory_space<vmem_shared>>
    %dma_wait3A_104 = arith.constant 0 : i32
    %dma_wait3A_105 = arith.constant 0 : i32
    %dma_wait3A_106 = tpu.memref_slice %arg13[%dma_wait3A_104, %dma_wait3A_105] : memref<10000x128xf32, #tpu.memory_space<vmem_shared>> -> memref<40x128xf32, #tpu.memory_space<vmem_shared>>
    tpu.wait_dma2 semaphore(%arg20 : memref<!tpu.dma_semaphore, #tpu.memory_space<semaphore_mem>>) src(%arg8 : memref<40x128xf32, #tpu.memory_space<vmem>>) dst(%dma_wait3A_106 : memref<40x128xf32, #tpu.memory_space<vmem_shared>>)
    %dma_wait3A_107 = arith.constant 0 : i32
    %dma_wait3A_108 = arith.constant 0 : i32
    %dma_wait3A_109 = tpu.memref_slice %arg13[%dma_wait3A_107, %dma_wait3A_108] : memref<10000x128xf32, #tpu.memory_space<vmem_shared>> -> memref<40x128xf32, #tpu.memory_space<vmem_shared>>
    %dma_wait3A_110 = arith.constant 0 : i32
    %dma_wait3A_111 = arith.constant 0 : i32
    %dma_wait3A_112 = tpu.memref_slice %arg13[%dma_wait3A_110, %dma_wait3A_111] : memref<10000x128xf32, #tpu.memory_space<vmem_shared>> -> memref<40x128xf32, #tpu.memory_space<vmem_shared>>
    tpu.wait_dma2 semaphore(%arg21 : memref<!tpu.dma_semaphore, #tpu.memory_space<semaphore_mem>>) src(%arg9 : memref<40x128xf32, #tpu.memory_space<vmem>>) dst(%dma_wait3A_112 : memref<40x128xf32, #tpu.memory_space<vmem_shared>>)
    %dma_wait3A_113 = arith.constant 0 : i32
    %dma_wait3A_114 = arith.constant 0 : i32
    %dma_wait3A_115 = tpu.memref_slice %arg13[%dma_wait3A_113, %dma_wait3A_114] : memref<10000x128xf32, #tpu.memory_space<vmem_shared>> -> memref<40x128xf32, #tpu.memory_space<vmem_shared>>
    %dma_wait3A_116 = arith.constant 0 : i32
    %dma_wait3A_117 = arith.constant 0 : i32
    %dma_wait3A_118 = tpu.memref_slice %arg13[%dma_wait3A_116, %dma_wait3A_117] : memref<10000x128xf32, #tpu.memory_space<vmem_shared>> -> memref<40x128xf32, #tpu.memory_space<vmem_shared>>
    tpu.wait_dma2 semaphore(%arg22 : memref<!tpu.dma_semaphore, #tpu.memory_space<semaphore_mem>>) src(%arg10 : memref<40x128xf32, #tpu.memory_space<vmem>>) dst(%dma_wait3A_118 : memref<40x128xf32, #tpu.memory_space<vmem_shared>>)
    %dma_wait3A_119 = arith.constant 0 : i32
    %dma_wait3A_120 = arith.constant 0 : i32
    %dma_wait3A_121 = tpu.memref_slice %arg13[%dma_wait3A_119, %dma_wait3A_120] : memref<10000x128xf32, #tpu.memory_space<vmem_shared>> -> memref<40x128xf32, #tpu.memory_space<vmem_shared>>
    %dma_wait3A_122 = arith.constant 0 : i32
    %dma_wait3A_123 = arith.constant 0 : i32
    %dma_wait3A_124 = tpu.memref_slice %arg13[%dma_wait3A_122, %dma_wait3A_123] : memref<10000x128xf32, #tpu.memory_space<vmem_shared>> -> memref<40x128xf32, #tpu.memory_space<vmem_shared>>
    tpu.wait_dma2 semaphore(%arg23 : memref<!tpu.dma_semaphore, #tpu.memory_space<semaphore_mem>>) src(%arg11 : memref<40x128xf32, #tpu.memory_space<vmem>>) dst(%dma_wait3A_124 : memref<40x128xf32, #tpu.memory_space<vmem_shared>>)
    %barrier3A_125 = arith.constant 0 : index
    tpu.barrier barrier_id(%barrier3A_125)
    "tpu.region"() ({
      %run_scoped3A = tpu.sem_alloc : memref<!tpu.dma_semaphore, #tpu.memory_space<semaphore_mem>>
      %dma_start3A_126 = arith.constant 0 : i32
      %dma_start3A_127 = tpu.memref_slice %arg4[%arg0, %mul3A_2, %dma_start3A_126] : memref<2x10000x128xf32, #tpu.memory_space<hbm>> -> memref<1x625x128xf32, #tpu.memory_space<hbm>>
      %dma_start3A_128 = tpu.memref_squeeze %dma_start3A_127 : memref<1x625x128xf32, #tpu.memory_space<hbm>> -> memref<625x128xf32, #tpu.memory_space<hbm>>
      %dma_start3A_129 = arith.constant 0 : i32
      %dma_start3A_130 = tpu.memref_slice %arg13[%mul3A_2, %dma_start3A_129] : memref<10000x128xf32, #tpu.memory_space<vmem_shared>> -> memref<625x128xf32, #tpu.memory_space<vmem_shared>>
      tpu.enqueue_dma source(%dma_start3A_130 : memref<625x128xf32, #tpu.memory_space<vmem_shared>>) target(%dma_start3A_128 : memref<625x128xf32, #tpu.memory_space<hbm>>) target_semaphore(%run_scoped3A : memref<!tpu.dma_semaphore, #tpu.memory_space<semaphore_mem>>)
      %dma_wait3A_131 = arith.constant 0 : i32
      %dma_wait3A_132 = tpu.memref_slice %arg4[%arg0, %mul3A_2, %dma_wait3A_131] : memref<2x10000x128xf32, #tpu.memory_space<hbm>> -> memref<1x625x128xf32, #tpu.memory_space<hbm>>
      %dma_wait3A_133 = tpu.memref_squeeze %dma_wait3A_132 : memref<1x625x128xf32, #tpu.memory_space<hbm>> -> memref<625x128xf32, #tpu.memory_space<hbm>>
      %dma_wait3A_134 = arith.constant 0 : i32
      %dma_wait3A_135 = tpu.memref_slice %arg13[%mul3A_2, %dma_wait3A_134] : memref<10000x128xf32, #tpu.memory_space<vmem_shared>> -> memref<625x128xf32, #tpu.memory_space<vmem_shared>>
      tpu.wait_dma2 semaphore(%run_scoped3A : memref<!tpu.dma_semaphore, #tpu.memory_space<semaphore_mem>>) src(%dma_wait3A_135 : memref<625x128xf32, #tpu.memory_space<vmem_shared>>) dst(%dma_wait3A_133 : memref<625x128xf32, #tpu.memory_space<hbm>>)
      tpu.yield
    }) : () -> ()
    return
  }
}

module attributes {stable_mosaic.version = 14 : i64} {
  func.func @_mid_body(%arg0: i32, %arg1: memref<2x2000x128xf32, #tpu.memory_space<vmem>>, %arg2: memref<128x128xf32, #tpu.memory_space<vmem>>, %arg3: memref<1x128xf32, #tpu.memory_space<vmem>>, %arg4: memref<128x64xf32, #tpu.memory_space<vmem>>, %arg5: memref<2000x64xf32, #tpu.memory_space<vmem>>) attributes {dimension_semantics = [#tpu.dimension_semantics<arbitrary>], iteration_bounds = array<i64: 5>, scalar_prefetch = 0 : i64, scratch_operands = 0 : i64, tpu.core_type = #tpu.core_type<tc>, window_params = [{transform_indices = @transform_0, window_bounds = array<i64: 2, 2000, 128>}, {pipeline_mode = #tpu.pipeline_mode<synchronous>, transform_indices = @transform_1, window_bounds = array<i64: 128, 128>}, {pipeline_mode = #tpu.pipeline_mode<synchronous>, transform_indices = @transform_2, window_bounds = array<i64: 1, 128>}, {pipeline_mode = #tpu.pipeline_mode<synchronous>, transform_indices = @transform_3, window_bounds = array<i64: 128, 64>}, {transform_indices = @transform_4, window_bounds = array<i64: 2000, 64>}]} {
    %get3A = arith.constant 0 : index
    %get3A_0 = arith.constant 0 : index
    %get3A_1 = arith.constant 0 : index
    %get3A_2 = vector.load %arg1[%get3A, %get3A_0, %get3A_1] : memref<2x2000x128xf32, #tpu.memory_space<vmem>>, vector<1x2000x128xf32>
    %get3A_3 = vector.shape_cast %get3A_2 : vector<1x2000x128xf32> to vector<2000x128xf32>
    %get3A_4 = arith.constant 1 : index
    %get3A_5 = arith.constant 0 : index
    %get3A_6 = arith.constant 0 : index
    %get3A_7 = vector.load %arg1[%get3A_4, %get3A_5, %get3A_6] : memref<2x2000x128xf32, #tpu.memory_space<vmem>>, vector<1x2000x128xf32>
    %get3A_8 = vector.shape_cast %get3A_7 : vector<1x2000x128xf32> to vector<2000x128xf32>
    %add3A = arith.addf %get3A_3, %get3A_8 : vector<2000x128xf32>
    %get3A_9 = arith.constant 0 : index
    %get3A_10 = arith.constant 0 : index
    %get3A_11 = vector.load %arg2[%get3A_9, %get3A_10] : memref<128x128xf32, #tpu.memory_space<vmem>>, vector<128x128xf32>
    %dot_general3A = arith.constant dense<0.000000e+00> : vector<2000x128xf32>
    %dot_general3A_12 = tpu.matmul %add3A, %get3A_11, %dot_general3A {dimension_numbers = #tpu.dot_dimension_numbers<[1], [0], [0], [1], [0, 0, 1, 1], [], []>, transpose_lhs_hint = false} : vector<2000x128xf32>, vector<128x128xf32>, vector<2000x128xf32> -> vector<2000x128xf32>
    %get3A_13 = arith.constant 0 : index
    %get3A_14 = arith.constant 0 : index
    %get3A_15 = vector.load %arg3[%get3A_13, %get3A_14] : memref<1x128xf32, #tpu.memory_space<vmem>>, vector<1x128xf32>
    %add3A_16 = vector.broadcast %get3A_15 : vector<1x128xf32> to vector<2000x128xf32>
    %add3A_17 = arith.addf %dot_general3A_12, %add3A_16 : vector<2000x128xf32>
    %max3A = arith.constant 0.000000e+00 : f32
    %max3A_18 = vector.broadcast %max3A : f32 to vector<2000x128xf32>
    %max3A_19 = arith.maximumf %add3A_17, %max3A_18 : vector<2000x128xf32>
    %get3A_20 = arith.constant 0 : index
    %get3A_21 = arith.constant 0 : index
    %get3A_22 = vector.load %arg4[%get3A_20, %get3A_21] : memref<128x64xf32, #tpu.memory_space<vmem>>, vector<128x64xf32>
    %dot_general3A_23 = arith.constant dense<0.000000e+00> : vector<2000x64xf32>
    %dot_general3A_24 = tpu.matmul %max3A_19, %get3A_22, %dot_general3A_23 {dimension_numbers = #tpu.dot_dimension_numbers<[1], [0], [0], [1], [0, 0, 1, 1], [], []>, transpose_lhs_hint = false} : vector<2000x128xf32>, vector<128x64xf32>, vector<2000x64xf32> -> vector<2000x64xf32>
    %swap3A = arith.constant 0 : index
    %swap3A_25 = arith.constant 0 : index
    %swap3A_26 = vector.load %arg5[%swap3A, %swap3A_25] : memref<2000x64xf32, #tpu.memory_space<vmem>>, vector<2000x64xf32>
    tpu.vector_store %arg5[%swap3A, %swap3A_25], %dot_general3A_24 {strides = array<i32>} : memref<2000x64xf32, #tpu.memory_space<vmem>>, vector<2000x64xf32>,
    return
  }
  func.func @transform_0(%arg0: i32) -> (i32, i32, i32) {
    %c0_i32 = arith.constant 0 : i32
    %c0_i32_0 = arith.constant 0 : i32
    %c0_i32_1 = arith.constant 0 : i32
    return %c0_i32, %arg0, %c0_i32_0 : i32, i32, i32
  }
  func.func @transform_1(%arg0: i32) -> (i32, i32) {
    %c0_i32 = arith.constant 0 : i32
    %c0_i32_0 = arith.constant 0 : i32
    %c0_i32_1 = arith.constant 0 : i32
    return %c0_i32, %c0_i32_0 : i32, i32
  }
  func.func @transform_2(%arg0: i32) -> (i32, i32) {
    %c0_i32 = arith.constant 0 : i32
    %c0_i32_0 = arith.constant 0 : i32
    %c0_i32_1 = arith.constant 0 : i32
    return %c0_i32, %c0_i32_0 : i32, i32
  }
  func.func @transform_3(%arg0: i32) -> (i32, i32) {
    %c0_i32 = arith.constant 0 : i32
    %c0_i32_0 = arith.constant 0 : i32
    %c0_i32_1 = arith.constant 0 : i32
    return %c0_i32, %c0_i32_0 : i32, i32
  }
  func.func @transform_4(%arg0: i32) -> (i32, i32) {
    %c0_i32 = arith.constant 0 : i32
    %c0_i32_0 = arith.constant 0 : i32
    return %arg0, %c0_i32 : i32, i32
  }
}

module attributes {stable_mosaic.version = 14 : i64} {
  func.func @_final_body(%arg0: i32, %arg1: memref<2x1000x128xf32, #tpu.memory_space<vmem>>, %arg2: memref<1x128xf32, #tpu.memory_space<vmem>>, %arg3: memref<1000x128xf32, #tpu.memory_space<vmem>>) attributes {dimension_semantics = [#tpu.dimension_semantics<arbitrary>], iteration_bounds = array<i64: 5>, scalar_prefetch = 0 : i64, scratch_operands = 0 : i64, tpu.core_type = #tpu.core_type<tc>, window_params = [{transform_indices = @transform_0, window_bounds = array<i64: 2, 1000, 128>}, {pipeline_mode = #tpu.pipeline_mode<synchronous>, transform_indices = @transform_1, window_bounds = array<i64: 1, 128>}, {transform_indices = @transform_2, window_bounds = array<i64: 1000, 128>}]} {
    %get3A = arith.constant 0 : index
    %get3A_0 = arith.constant 0 : index
    %get3A_1 = arith.constant 0 : index
    %get3A_2 = vector.load %arg1[%get3A, %get3A_0, %get3A_1] : memref<2x1000x128xf32, #tpu.memory_space<vmem>>, vector<1x1000x128xf32>
    %get3A_3 = vector.shape_cast %get3A_2 : vector<1x1000x128xf32> to vector<1000x128xf32>
    %get3A_4 = arith.constant 1 : index
    %get3A_5 = arith.constant 0 : index
    %get3A_6 = arith.constant 0 : index
    %get3A_7 = vector.load %arg1[%get3A_4, %get3A_5, %get3A_6] : memref<2x1000x128xf32, #tpu.memory_space<vmem>>, vector<1x1000x128xf32>
    %get3A_8 = vector.shape_cast %get3A_7 : vector<1x1000x128xf32> to vector<1000x128xf32>
    %add3A = arith.addf %get3A_3, %get3A_8 : vector<1000x128xf32>
    %get3A_9 = arith.constant 0 : index
    %get3A_10 = arith.constant 0 : index
    %get3A_11 = vector.load %arg2[%get3A_9, %get3A_10] : memref<1x128xf32, #tpu.memory_space<vmem>>, vector<1x128xf32>
    %add3A_12 = vector.broadcast %get3A_11 : vector<1x128xf32> to vector<1000x128xf32>
    %add3A_13 = arith.addf %add3A, %add3A_12 : vector<1000x128xf32>
    %reshape3A = vector.shape_cast %add3A_13 : vector<1000x128xf32> to vector<1000x2x64xf32>
    %reduce_max3A = arith.constant dense<0xFF800000> : vector<1000x2xf32>
    %reduce_max3A_14 = vector.multi_reduction <maximumf>, %reshape3A, %reduce_max3A [2] : vector<1000x2x64xf32> to vector<1000x2xf32>
    %broadcast_in_dim3A = vector.shape_cast %reduce_max3A_14 : vector<1000x2xf32> to vector<1000x2x1xf32>
    %sub3A = vector.broadcast %broadcast_in_dim3A : vector<1000x2x1xf32> to vector<1000x2x64xf32>
    %sub3A_15 = arith.subf %reshape3A, %sub3A : vector<1000x2x64xf32>
    %exp3A = math.exp %sub3A_15 : vector<1000x2x64xf32>
    %reduce_sum3A = arith.constant dense<0.000000e+00> : vector<1000x2xf32>
    %reduce_sum3A_16 = vector.multi_reduction <add>, %exp3A, %reduce_sum3A [2] : vector<1000x2x64xf32> to vector<1000x2xf32>
    %broadcast_in_dim3A_17 = vector.shape_cast %reduce_sum3A_16 : vector<1000x2xf32> to vector<1000x2x1xf32>
    %log3A = math.log %broadcast_in_dim3A_17 : vector<1000x2x1xf32>
    %sub3A_18 = vector.broadcast %log3A : vector<1000x2x1xf32> to vector<1000x2x64xf32>
    %sub3A_19 = arith.subf %sub3A_15, %sub3A_18 : vector<1000x2x64xf32>
    %reshape3A_20 = vector.shape_cast %sub3A_19 : vector<1000x2x64xf32> to vector<1000x128xf32>
    %swap3A = arith.constant 0 : index
    %swap3A_21 = arith.constant 0 : index
    %swap3A_22 = vector.load %arg3[%swap3A, %swap3A_21] : memref<1000x128xf32, #tpu.memory_space<vmem>>, vector<1000x128xf32>
    tpu.vector_store %arg3[%swap3A, %swap3A_21], %reshape3A_20 {strides = array<i32>} : memref<1000x128xf32, #tpu.memory_space<vmem>>, vector<1000x128xf32>,
    return
  }
  func.func @transform_0(%arg0: i32) -> (i32, i32, i32) {
    %c0_i32 = arith.constant 0 : i32
    %c0_i32_0 = arith.constant 0 : i32
    %c0_i32_1 = arith.constant 0 : i32
    return %c0_i32, %arg0, %c0_i32_0 : i32, i32, i32
  }
  func.func @transform_1(%arg0: i32) -> (i32, i32) {
    %c0_i32 = arith.constant 0 : i32
    %c0_i32_0 = arith.constant 0 : i32
    %c0_i32_1 = arith.constant 0 : i32
    return %c0_i32, %c0_i32_0 : i32, i32
  }
  func.func @transform_2(%arg0: i32) -> (i32, i32) {
    %c0_i32 = arith.constant 0 : i32
    %c0_i32_0 = arith.constant 0 : i32
    return %arg0, %c0_i32 : i32, i32
  }
}

</mosaic_0001>

<sc_bundles>
// kernel: kernel.6.cloned.1.call-start
scs
__scs_entry_jumppad:
0x0: {  	(pc) =	sbr.rel $0x88, $3  }
0x1: {  	(tag) =	ssettag $0x0;
	lr =	simm.s32 $0x1  }
0x2: {  	[smem:$0x3F9B] =	sst lr;
	_ =	strace $0xD0000000  }
0x3: {  	_ = 	snop  }
0x4: {  	_ = 	snop  }
0x5: {  	_ = 	snop  }
0x6: {  	_ = 	snop  }
0x7: {  	_ = 	snop  }
__scs_overlays_trampoline_lowered:
0x8: {  	[smem:$0x3FAA] =	sst s0  }
0x9: {  	[smem:$0x3FAB] =	sst s1  }
0xa: {  	[smem:$0x3FAC] =	sst s2  }
0xb: {  	[smem:$0x3FAD] =	sst s3  }
0xc: {  	[smem:$0x3FAE] =	sst s4  }
0xd: {  	[smem:$0x3FAF] =	sst s5  }
0xe: {  	[smem:$0x3FB0] =	sst s6  }
0xf: {  	[smem:$0x3FB1] =	sst s7  }
0x10: {  	[smem:$0x3FB2] =	sst s8  }
0x11: {  	[smem:$0x3FB3] =	sst s9;
	s0 =	simm.s32 @!p0 $0x0  }
0x12: {  	s1 =	sld [smem:$0x3F99];
	s0 =	simm.s32 @p0 $0x1  }
0x13: {  	[smem:$0x3FB4] =	sst s0;
	s0 =	simm.s32 @!p1 $0x0  }
0x14: {  	s2 =	sld [smem:$0x3F98];
	s0 =	simm.s32 @p1 $0x1  }
0x15: {  	[smem:$0x3FB5] =	sst s0;
	s0 =	simm.s32 @!p2 $0x0  }
0x16: {  	s3 =	sld [smem:$0x3FDB];
	s0 =	simm.s32 @p2 $0x1  }
0x17: {  	s4 =	simm.s32 $0x1BF5;
	[smem:$0x3FB7] =	sst s0  }
0x18: {  	s0 =	sld [smem:$0x3F9A];
	_ =	swait.ge [sflag:s4], $0x0  }
0x19: {  	s7 =	sld [smem:$0x3F9B]  }
0x1a: {  	s8 =	sadd.s32 $0xFFFFE003, lr  }
0x1b: {  	s9 =	sadd.s32 $0xFFFFFEF7, lr;
	s5 =	simm.s32 $0xFFFFFFFF;
	p2 =	slt.u32 s8, $0xFFFFF086  }
0x1c: {  	p1 =	slt.u32 s9, $0xF7A;
	s5 =	simm.s32 @!p2 $0x0  }
0x1d: {  	s5 =	simm.s32 @p1 $0x1;
	p0 =	seq.s32 s7, s2  }
0x1e: {  	s7 =	smul.u32 @!p0 $0xF7A, s2;
	p2 =	seq.s32 @!p0 s5, $0x0  }
0x1f: {  	s9 =	smul.u32 $0xF7A, s1;
	s8 =	simm.s32 @!p0 $0x1BF5;
	p2 =	por !p2, p0  }
0x20: {  	[sflag:s8] =	ssyncset.s32 @!p0 $0xFFFFF086;
	s6 =	sadd.s32 @!p0 s3, s7;
	s7 =	simm.s32 @!p0 $0x108  }
0x21: {  	s3 =	sadd.s32 s3, s9;
	s6 =	sadd.s32 @!p0 $0x88, s6;
	s7 =	simm.s32 @p2 $0x1082  }
0x22: {  	[simem:s7], [sflag:s8] =	dma.local @!p0 [hbm:s6], $0xF7A  }
0x23: {  	s9 =	sor.u32 $0xD0000000, s2;
	s6 =	simm.s32 $0x108;
	_ =	swait.ge @!p0 [sflag:s8], $0x0  }
0x24: {  	s3 =	sadd.s32 $0x88, s3;
	s6 =	simm.s32 @!p1 $0x1082;
	[sflag:s4] =	ssyncset.s32 $0xFFFFF086  }
0x25: {  	[simem:s6], [sflag:s4] =	dma.local [hbm:s3], $0xF7A  }
0x26: {  	[smem:$0x3F9B] =	sst s1;
	(tag) =	ssettag s2;
	_ =	strace s9  }
0x27: {  	s1 =	sld [smem:$0x3FAB]  }
0x28: {  	s2 =	sld [smem:$0x3FAC]  }
0x29: {  	s4 =	sld [smem:$0x3FAE]  }
0x2a: {  	p0 =	seq.s32 s5, $0x0;
	s5 =	sld [smem:$0x3FAF]  }
0x2b: {  	s6 =	sld [smem:$0x3FB0]  }
0x2c: {  	s7 =	sld [smem:$0x3FB1]  }
0x2d: {  	s3 =	simm.s32 $0x108;
	s8 =	sld [smem:$0x3FB2]  }
0x2e: {  	s3 =	simm.s32 @!p0 $0x1082;
	s9 =	sld [smem:$0x3FB3]  }
0x2f: {  	lr =	sadd.s32 s0, s3;
	s0 =	sld [smem:$0x3FAA]  }
0x30: {  	s3 =	sld [smem:$0x3FAD]  }
0x31: {  	[smem:$0x3FB6] =	sst s10  }
0x32: {  	s10 =	sld [smem:$0x3FB4];
	_ =	sdelay $0x3  }
0x33: {  	p0 =	seq.s32 s10, $0x1;
	s10 =	sld [smem:$0x3FB6];
	_ =	sdelay $0x3  }
0x34: {  	[smem:$0x3FB6] =	sst s10  }
0x35: {  	s10 =	sld [smem:$0x3FB5];
	_ =	sdelay $0x3  }
0x36: {  	p1 =	seq.s32 s10, $0x1;
	s10 =	sld [smem:$0x3FB6];
	_ =	sdelay $0x3  }
0x37: {  	[smem:$0x3FB6] =	sst s10  }
0x38: {  	s10 =	sld [smem:$0x3FB7]  }
0x39: {  	_ = 	snop;
	(pc) =	sbr.ind lr, $3  }
0x3a: {  	_ = 	snop  }
0x3b: {  	_ = 	snop  }
0x3c: {  	p2 =	seq.s32 s10, $0x1;
	s10 =	sld [smem:$0x3FB6]  }
0x3d: {  	_ =	shalt  }
0x3e: {  	_ =	shalt  }
0x3f: {  	_ =	shalt  }
0x40: {  	_ =	shalt  }
0x41: {  	_ =	shalt  }
0x42: {  	_ =	shalt  }
0x43: {  	_ =	shalt  }
0x44: {  	_ =	shalt  }
0x45: {  	_ =	shalt  }
0x46: {  	_ =	shalt  }
0x47: {  	_ =	shalt  }
0x48: {  	_ =	shalt  }
0x49: {  	_ =	shalt  }
0x4a: {  	_ =	shalt  }
0x4b: {  	_ =	shalt  }
0x4c: {  	_ =	shalt  }
0x4d: {  	_ =	shalt  }
0x4e: {  	_ =	shalt  }
0x4f: {  	_ =	shalt  }
0x50: {  	_ =	shalt  }
0x51: {  	_ =	shalt  }
0x52: {  	_ =	shalt  }
0x53: {  	_ =	shalt  }
0x54: {  	_ =	shalt  }
0x55: {  	_ =	shalt  }
0x56: {  	_ =	shalt  }
0x57: {  	_ =	shalt  }
0x58: {  	_ =	shalt  }
0x59: {  	_ =	shalt  }
0x5a: {  	_ =	shalt  }
0x5b: {  	_ =	shalt  }
0x5c: {  	_ =	shalt  }
0x5d: {  	_ =	shalt  }
0x5e: {  	_ =	shalt  }
0x5f: {  	_ =	shalt  }
0x60: {  	_ =	shalt  }
0x61: {  	_ =	shalt  }
0x62: {  	_ =	shalt  }
0x63: {  	_ =	shalt  }
0x64: {  	_ =	shalt  }
0x65: {  	_ =	shalt  }
0x66: {  	_ =	shalt  }
0x67: {  	_ =	shalt  }
0x68: {  	_ =	shalt  }
0x69: {  	_ =	shalt  }
0x6a: {  	_ =	shalt  }
0x6b: {  	_ =	shalt  }
0x6c: {  	_ =	shalt  }
0x6d: {  	_ =	shalt  }
0x6e: {  	_ =	shalt  }
0x6f: {  	_ =	shalt  }
0x70: {  	_ =	shalt  }
0x71: {  	_ =	shalt  }
0x72: {  	_ =	shalt  }
0x73: {  	_ =	shalt  }
0x74: {  	_ =	shalt  }
0x75: {  	_ =	shalt  }
0x76: {  	_ =	shalt  }
0x77: {  	_ =	shalt  }
0x78: {  	_ =	shalt  }
0x79: {  	_ =	shalt  }
0x7a: {  	_ =	shalt  }
0x7b: {  	_ =	shalt  }
0x7c: {  	_ =	shalt  }
0x7d: {  	_ =	shalt  }
0x7e: {  	_ =	shalt  }
0x7f: {  	_ =	shalt  }
0x80: {  	_ =	shalt  }
0x81: {  	_ =	shalt  }
0x82: {  	_ =	shalt  }
0x83: {  	_ =	shalt  }
0x84: {  	_ =	shalt  }
0x85: {  	_ =	shalt  }
0x86: {  	_ =	shalt  }
0x87: {  	_ =	shalt  }
.Lfunc_end0:
.L_simem_size_0:
called_computation_lowered:
.L_overlay_start_0:
0x88: {  	s2 =	sld [smem:$0x3FD9]  }
0x89: {  	s3 =	sld [smem:$0x3FFE];
	_ =	sdelay $0x1  }
0x8a: {  	s1 =	srdreg.scid  }
0x8b: {  	s0 =	sand.u32 $0x1, s1  }
0x8c: {  	s17 =	sshll.u32 s0, $0xA;
	s2 =	sadd.s32 s3, s2  }
0x8d: {  	s2 =	sadd.s32 s2, s17  }
0x8e: {  	[smem:$0x3FC2] =	sst s2  }
0x8f: {  	_ = 	snop  }
0x90: {  	s2 =	sld [smem:$0x3FC9]  }
0x91: {  	s18 =	sld [smem:$0x3FD0];
	(tm) =	ssettm $0x1  }
0x92: {  	s4 =	sld [smem:$0x3FFB];
	_ =	sdelay $0x3  }
0x93: {  	_ =	strace s4  }
0x94: {  	s4 =	sld [smem:$0x3FFC];
	_ =	sdelay $0x3  }
0x95: {  	_ =	strace s4  }
0x96: {  	s4 =	sld [smem:$0x3FFD];
	_ =	sdelay $0x3  }
0x97: {  	_ =	strace s4  }
0x98: {  	_ =	strace $0x8FFFFFFF  }
0x99: {  	s19 =	sld [smem:$0x3FDB];
	_ =	sdelay $0x1  }
0x9a: {  	s5 =	simm.s32 $_scs_section_size  }
0x9b: {  	s6 =	simm.s32 $_size__tile_overlayer_lowered;
	s7 =	simm.s32 $_tile_overlayer_lowered  }
0x9c: {  	s22 =	simm.s32 $0x1BFF;
	s21 =	sshll.u32 s7, $0x1;
	s4 =	sadd.s32 s5, s19  }
0x9d: {  	s8 =	simm.s32 $0x0;
	s20 =	sshll.u32 s6, $0x1;
	s6 =	sadd.s32 s21, s4  }
0x9e: {  	[timem:s8], [sflag:s22] =	dma.local [hbm:s6], s20  }
0x9f: {  	_ =	swait.ge [sflag:s22], s20  }
0xa0: {  	s5 =	ssub.s32 $0x0, s20;
	[sflag:s22] =	ssyncset.done $0x0  }
0xa1: {  	[sflag:s22] =	ssyncadd.s32 s5;
	_ =	sdelay $0x1  }
0xa2: {  	s23 =	simm.s32 $0x1B8B  }
0xa3: {  	_ =	swait.ge [sflag:s23], $0x1  }
0xa4: {  	[sflag:s23] =	ssyncset.done $0x0  }
0xa5: {  	s25 =	simm.s32 $0x1B8E;
	s24 =	sld [smem:$0x3FFE];
	[sflag:s23] =	ssyncadd.s32 $0xFFFFFFFF  }
0xa6: {  	s26 =	simm.s32 $execute0_lowered;
	[smem:$0x3FD2] =	sst s25  }
0xa7: {  	s6 =	sshll.u32 s26, $0x1;
	_ =	strace $0x80000046;
	[dreg:$0x1] =	wrdreg $0xFFFFFFFF  }
0xa8: {  	s28 =	simm.s32 $_size_execute0_lowered;
	s4 =	sadd.s32 s4, s6;
	[dreg:$0x0] =	wrdreg $0x0  }
0xa9: {  	s6 =	sshll.u32 s28, $0x1;
	[dreg:$0x2] =	wrdreg s4  }
0xaa: {  	[dreg:$0x3] =	wrdreg s6  }
0xab: {  	[dreg:$0x4] =	wrdreg $0xC0  }
0xac: {  	_ =	task [dreg:s8], $0x5FFFF  }
0xad: {  	[dreg:$0x1] =	wrdreg $0xFFFFFFFF  }
0xae: {  	[dreg:$0x0] =	wrdreg $0x60  }
0xaf: {  	[dreg:$0x2] =	wrdreg s2  }
0xb0: {  	[dreg:$0x3] =	wrdreg s18  }
0xb1: {  	[dreg:$0x4] =	wrdreg s24  }
0xb2: {  	[dreg:$0x5] =	wrdreg $0xBEA00  }
0xb3: {  	[dreg:$0x6] =	wrdreg $0x9  }
0xb4: {  	_ =	task.clear_ibuf [dreg:s8], $0x7FFFF;
	_ =	strace $0x90000046  }
0xb5: {  	s29 =	simm.s32 $0x9;
	_ =	strace $0x80000048  }
0xb6: {  	_ =	swait.ge [sflag:s29], $0x1  }
0xb7: {  	[sflag:s29] =	ssyncadd.s32 $0xFFFFFFFF  }
0xb8: {  	_ =	strace $0x90000048  }
0xb9: {  	_ =	sfence  }
0xba: {  	s30 =	sld [smem:$0x0];
	_ =	sdelay $0x2  }
0xbb: {  	s31 =	sshll.u32 s1, $0xD;
	s1 =	sshrl.u32 s1, $0x2  }
0xbc: {  	s3 =	sand.u32 $0x4000, s31;
	s1 =	sadd.s32 s1, s30  }
0xbd: {  	s0 =	sor.u32 s3, s0;
	s1 =	sshll.u32 s1, $0x11  }
0xbe: {  	s0 =	sor.u32 s1, s0  }
0xbf: {  	s0 =	sadd.s32 $0x8F2B, s0  }
0xc0: {  	[sflag:s0] =	ssyncadd.remote.s32 $0x1  }
0xc1: {  	_ =	sfence.sel $0xFFFF  }
0xc2: {  	[dreg:$0x0] =	wrdreg $0xFFFFFFFF;
	(pc) =	sbr.abs _section_cstart, $3  }
0xc3: {  	[dreg:$0x1] =	wrdreg $0xFFFFFFFF  }
0xc4: {  	_ =	task.clear_ibuf [dreg:s8], $0x2FFFF;
	_ =	strace $0x9FFFFFFF  }
0xc5: {  	(tm) =	ssettm $0x7FFFFFFF  }
tec
execute0_lowered:
.L_overlay_start_1:
0x0: {  	(tag) =	ssettag $0x1  }
0x1: {  	s0 =	rddreg [dreg:$0x0];
	s8 =	stileid.u32  }
0x2: {  	s1 =	rddreg [dreg:$0x1];
	s6 =	smul.u32 $0x13880, s8  }
0x3: {  	s4 =	rddreg [dreg:$0x2];
	s7 =	sshll.u32 s8, $0x1;
	s8 =	smul.u32 $0x4E200, s8  }
0x4: {  	s2 =	srdreg.scid;
	s3 =	rddreg [dreg:$0x3];
	s9 =	simm.s32 $0x0  }
0x5: {  	[smem:$0x7FF] =	sst s9;
	s8 =	sshrl.u32 s8, $0x2;
	s9 =	sadd.s32 s6, s3  }
0x6: {  	s2 =	sand.u32 $0x1, s2;
	s8 =	sadd.s32 s8, s3;
	s25 =	sshrl.u32 s9, $0x3  }
0x7: {  	_ =	strace $0x80000047;
	s10 =	sadd.s32 $0xC80, s8;
	[dreg:$0x18] =	wrdreg s25  }
0x8: {  	s5 =	smul.u32 $0x138800, s2;
	s11 =	sadd.s32 $0x1900, s8;
	[dreg:$0x9] =	wrdreg s10  }
0x9: {  	s7 =	sor.u32 s2, s7;
	s12 =	sadd.s32 $0x2580, s8;
	[dreg:$0xa] =	wrdreg s11  }
0xa: {  	s2 =	ssub.s32 $0x2, s2;
	s13 =	sadd.s32 $0x3200, s8;
	[dreg:$0xb] =	wrdreg s12  }
0xb: {  	s7 =	smul.u32 $0x2710, s7;
	s14 =	sadd.s32 $0x3E80, s8;
	[dreg:$0xc] =	wrdreg s13  }
0xc: {  	s29 =	sshrl.u32 s2, $0x1;
	s15 =	sadd.s32 $0x4B00, s8;
	[dreg:$0xd] =	wrdreg s14  }
0xd: {  	s5 =	sadd.s32 s6, s5;
	s16 =	sadd.s32 $0x5780, s8;
	[dreg:$0xe] =	wrdreg s15  }
0xe: {  	s9 =	simm.s32 $0x1;
	s17 =	sadd.s32 $0x6400, s8;
	[dreg:$0xf] =	wrdreg s16  }
0xf: {  	s5 =	sshrl.u32 s5, $0x3;
	s18 =	sadd.s32 $0x7080, s8;
	[dreg:$0x10] =	wrdreg s17  }
0x10: {  	s7 =	sshrl.u32 s7, $0x3;
	s19 =	sadd.s32 $0x7D00, s8;
	[dreg:$0x11] =	wrdreg s18  }
0x11: {  	s20 =	sadd.s32 $0x8980, s8;
	s21 =	sadd.s32 $0x9600, s8;
	[dreg:$0x12] =	wrdreg s19  }
0x12: {  	s22 =	sadd.s32 $0xA280, s8;
	s23 =	sadd.s32 $0xAF00, s8;
	[dreg:$0x13] =	wrdreg s20  }
0x13: {  	s24 =	sadd.s32 $0xBB80, s8;
	s26 =	sadd.s32 $0xC800, s8;
	[dreg:$0x14] =	wrdreg s21  }
0x14: {  	s28 =	sadd.s32 $0xD480, s8;
	s30 =	sadd.s32 $0xED80, s8;
	[dreg:$0x15] =	wrdreg s22  }
0x15: {  	s31 =	sadd.s32 $0xFA00, s8;
	s6 =	sadd.s32 $0x12C00, s8;
	[dreg:$0x16] =	wrdreg s23  }
0x16: {  	s25 =	simm.s32 $0x0;
	s4 =	sadd.s32 s5, s4;
	[dreg:$0x17] =	wrdreg s24  }
0x17: {  	s7 =	sadd.s32 s1, s7;
	s5 =	ssub.s32 s2, s29;
	[dreg:$0x19] =	wrdreg s26  }
0x18: {  	[dreg:$0x1a] =	wrdreg s28;
	s29 =	sadd.s32 $0xE100, s8;
	s2 =	sadd.s32 $0x10680, s8  }
0x19: {  	s10 =	simm.s32 $0x2;
	s11 =	simm.s32 $0x28;
	s12 =	simm.s32 $0x4E20  }
0x1a: {  	s13 =	simm.s32 $0x6220;
	s14 =	simm.s32 $0x7620;
	s15 =	simm.s32 $0x9E20  }
0x1b: {  	s16 =	simm.s32 $0x6;
	s17 =	simm.s32 $0x3;
	s18 =	simm.s32 $0x4  }
0x1c: {  	s19 =	simm.s32 $0x5;
	s20 =	simm.s32 $0x7;
	[dreg:$0x5] =	wrdreg s7  }
0x1d: {  	s21 =	simm.s32 $0x8;
	s7 =	sadd.s32 $0x9C40, s7;
	[dreg:$0x1b] =	wrdreg s29  }
0x1e: {  	s22 =	simm.s32 $0x9;
	s4 =	sadd.s32 $0x1400, s4;
	[dreg:$0x6] =	wrdreg s7  }
0x1f: {  	s23 =	simm.s32 $0xA;
	s1 =	smax.u32 s5, $0x1;
	[dreg:$0x7] =	wrdreg s4  }
0x20: {  	s24 =	simm.s32 $0xB;
	s5 =	simm.s32 $0x8A20;
	[dreg:$0x8] =	wrdreg s1  }
0x21: {  	v0 =	vimm.f32 $0.0e+00;
	s1 =	sadd.s32 $0x11300, s8;
	s4 =	sadd.s32 $0x11F80, s8;
	s7 =	simm.s32 $0xB220  }
.LBB2_1:
0x22: {  	s26 =	simm.s32 $0x0;
	s28 =	rddreg [dreg:$0x5]  }
0x23: {  	[tilespmem:s26], [sflag:$0x1] =	stream.linear.gather [hbm4b:s28+s26], $0x2710, $0x38;
	[tilespmem:$0x1F720] =	vst v63  }
0x24: {  	s29 =	simm.s32 $0x2710;
	s28 =	rddreg [dreg:$0x6]  }
0x25: {  	[tilespmem:s29], [sflag:$0x2] =	stream.linear.gather [hbm4b:s28+s26], $0x2710, $0x38;
	[tilespmem:$0x1F720] =	vst v63  }
0x26: {  	s26 =	simm.s32 $0x70;
	s28 =	simm.s32 $0x3C0  }
.LBB2_2:
0x27: {  	p0 =	sne.s32 s28, $0x31C0;
	[tilespmem:s26+$0xB220] =	vst v0  }
0x28: {  	[tilespmem:s26+$0xB1B0] =	vst v0  }
0x29: {  	[tilespmem:s26+$0xB1C0] =	vst v0  }
.Ltmp0:
0x2a: {  	[tilespmem:s26+$0xB1D0] =	vst v0;
	(pc) =	sbr.rel @p0 .LBB2_2-.Ltmp0, $4  }
0x2b: {  	[tilespmem:s26+$0xB1E0] =	vst v0  }
0x2c: {  	[tilespmem:s26+$0xB1F0] =	vst v0  }
0x2d: {  	[tilespmem:s26+$0xB200] =	vst v0  }
0x2e: {  	[tilespmem:s26+$0xB210] =	vst v0;
	s26 =	sshra.s32 s28, $0x2;
	s28 =	sadd.s32 $0x200, s28  }
0x2f: {  	[tilespmem:s26+$0xB220] =	vst v0  }
0x30: {  	[tilespmem:s26+$0xB1B0] =	vst v0  }
0x31: {  	[tilespmem:s26+$0xB1C0] =	vst v0  }
0x32: {  	[tilespmem:s26+$0xB1D0] =	vst v0  }
0x33: {  	[tilespmem:s26+$0xB1E0] =	vst v0  }
0x34: {  	[tilespmem:s26+$0xB1F0] =	vst v0  }
0x35: {  	[tilespmem:s26+$0xB200] =	vst v0  }
0x36: {  	[tilespmem:s26+$0xB210] =	vst v0  }
0x37: {  	[spmem:s8] =	stream.linear.scatter [tilespmem:s7], [sflag:$0x6], $0xC80, $0x38;
	[tilespmem:$0x1F720] =	vst v63  }
0x38: {  	s29 =	rddreg [dreg:$0x9]  }
0x39: {  	[spmem:s29] =	stream.linear.scatter [tilespmem:s7], [sflag:$0x6], $0xC80, $0x38;
	[tilespmem:$0x1F720] =	vst v63  }
0x3a: {  	s29 =	rddreg [dreg:$0xa]  }
0x3b: {  	[spmem:s29] =	stream.linear.scatter [tilespmem:s7], [sflag:$0x6], $0xC80, $0x38;
	[tilespmem:$0x1F720] =	vst v63  }
0x3c: {  	s29 =	rddreg [dreg:$0xb]  }
0x3d: {  	[spmem:s29] =	stream.linear.scatter [tilespmem:s7], [sflag:$0x6], $0xC80, $0x38;
	[tilespmem:$0x1F720] =	vst v63  }
0x3e: {  	s29 =	rddreg [dreg:$0xc]  }
0x3f: {  	[spmem:s29] =	stream.linear.scatter [tilespmem:s7], [sflag:$0x6], $0xC80, $0x38;
	[tilespmem:$0x1F720] =	vst v63  }
0x40: {  	s29 =	rddreg [dreg:$0xd]  }
0x41: {  	[spmem:s29] =	stream.linear.scatter [tilespmem:s7], [sflag:$0x6], $0xC80, $0x38;
	[tilespmem:$0x1F720] =	vst v63  }
0x42: {  	s29 =	rddreg [dreg:$0xe]  }
0x43: {  	[spmem:s29] =	stream.linear.scatter [tilespmem:s7], [sflag:$0x6], $0xC80, $0x38;
	[tilespmem:$0x1F720] =	vst v63  }
0x44: {  	s29 =	rddreg [dreg:$0xf]  }
0x45: {  	[spmem:s29] =	stream.linear.scatter [tilespmem:s7], [sflag:$0x6], $0xC80, $0x38;
	[tilespmem:$0x1F720] =	vst v63  }
0x46: {  	s29 =	rddreg [dreg:$0x10]  }
0x47: {  	[spmem:s29] =	stream.linear.scatter [tilespmem:s7], [sflag:$0x6], $0xC80, $0x38;
	[tilespmem:$0x1F720] =	vst v63  }
0x48: {  	s29 =	rddreg [dreg:$0x11]  }
0x49: {  	[spmem:s29] =	stream.linear.scatter [tilespmem:s7], [sflag:$0x6], $0xC80, $0x38;
	[tilespmem:$0x1F720] =	vst v63  }
0x4a: {  	s29 =	rddreg [dreg:$0x12]  }
0x4b: {  	[spmem:s29] =	stream.linear.scatter [tilespmem:s7], [sflag:$0x6], $0xC80, $0x38;
	[tilespmem:$0x1F720] =	vst v63  }
0x4c: {  	s29 =	rddreg [dreg:$0x13]  }
0x4d: {  	[spmem:s29] =	stream.linear.scatter [tilespmem:s7], [sflag:$0x6], $0xC80, $0x38;
	[tilespmem:$0x1F720] =	vst v63  }
0x4e: {  	s29 =	rddreg [dreg:$0x14]  }
0x4f: {  	[spmem:s29] =	stream.linear.scatter [tilespmem:s7], [sflag:$0x6], $0xC80, $0x38;
	[tilespmem:$0x1F720] =	vst v63  }
0x50: {  	s29 =	rddreg [dreg:$0x15]  }
0x51: {  	[spmem:s29] =	stream.linear.scatter [tilespmem:s7], [sflag:$0x6], $0xC80, $0x38;
	[tilespmem:$0x1F720] =	vst v63  }
0x52: {  	s29 =	rddreg [dreg:$0x16]  }
0x53: {  	[spmem:s29] =	stream.linear.scatter [tilespmem:s7], [sflag:$0x6], $0xC80, $0x38;
	[tilespmem:$0x1F720] =	vst v63  }
0x54: {  	s29 =	rddreg [dreg:$0x17]  }
0x55: {  	[spmem:s29] =	stream.linear.scatter [tilespmem:s7], [sflag:$0x6], $0xC80, $0x38;
	[tilespmem:$0x1F720] =	vst v63  }
0x56: {  	s29 =	rddreg [dreg:$0x19]  }
0x57: {  	[spmem:s29] =	stream.linear.scatter [tilespmem:s7], [sflag:$0x6], $0xC80, $0x38;
	[tilespmem:$0x1F720] =	vst v63  }
0x58: {  	s29 =	rddreg [dreg:$0x1a]  }
0x59: {  	[spmem:s29] =	stream.linear.scatter [tilespmem:s7], [sflag:$0x6], $0xC80, $0x38;
	[tilespmem:$0x1F720] =	vst v63  }
0x5a: {  	s29 =	rddreg [dreg:$0x1b]  }
0x5b: {  	[spmem:s29] =	stream.linear.scatter [tilespmem:s7], [sflag:$0x6], $0xC80, $0x38;
	[tilespmem:$0x1F720] =	vst v63  }
0x5c: {  	_ = 	snop  }
0x5d: {  	[spmem:s30] =	stream.linear.scatter [tilespmem:s7], [sflag:$0x6], $0xC80, $0x38;
	[tilespmem:$0x1F720] =	vst v63  }
0x5e: {  	_ = 	snop  }
0x5f: {  	[spmem:s31] =	stream.linear.scatter [tilespmem:s7], [sflag:$0x6], $0xC80, $0x38;
	[tilespmem:$0x1F720] =	vst v63  }
0x60: {  	_ = 	snop  }
0x61: {  	[spmem:s2] =	stream.linear.scatter [tilespmem:s7], [sflag:$0x6], $0xC80, $0x38;
	[tilespmem:$0x1F720] =	vst v63  }
0x62: {  	_ = 	snop  }
0x63: {  	[spmem:s1] =	stream.linear.scatter [tilespmem:s7], [sflag:$0x6], $0xC80, $0x38;
	[tilespmem:$0x1F720] =	vst v63  }
0x64: {  	_ = 	snop  }
0x65: {  	[spmem:s4] =	stream.linear.scatter [tilespmem:s7], [sflag:$0x6], $0xC80, $0x38;
	[tilespmem:$0x1F720] =	vst v63  }
0x66: {  	_ = 	snop  }
0x67: {  	[spmem:s6] =	stream.linear.scatter [tilespmem:s7], [sflag:$0x6], $0xC80, $0x38;
	[tilespmem:$0x1F720] =	vst v63  }
0x68: {  	_ =	swait.ge [sflag:s9], $0x2710  }
0x69: {  	[sflag:s9] =	ssyncset.done $0x0  }
0x6a: {  	[sflag:s9] =	ssyncadd.s32 $0xFFFFD8F0  }
0x6b: {  	_ =	swait.ge [sflag:s10], $0x2710  }
0x6c: {  	[sflag:s10] =	ssyncset.done $0x0  }
0x6d: {  	s29 =	simm.s32 $0x0;
	[sflag:s10] =	ssyncadd.s32 $0xFFFFD8F0  }
0x6e: {  	[tilespmem:s12], [sflag:$0x1] =	stream.indirect.gather [hbm4b:s0+s11], $0x80, s29, s11, $0xb8;
	[tilespmem:$0x1F720] =	vst v63  }
0x6f: {  	_ = 	snop  }
0x70: {  	[tilespmem:s13], [sflag:$0x2] =	stream.indirect.gather [hbm4b:s0+s11], $0x80, s11, s11, $0xb8;
	[tilespmem:$0x1F720] =	vst v63  }
0x71: {  	s29 =	simm.s32 $0x50  }
0x72: {  	[tilespmem:s14], [sflag:$0x3] =	stream.indirect.gather [hbm4b:s0+s11], $0x80, s29, s11, $0xb8;
	[tilespmem:$0x1F720] =	vst v63  }
0x73: {  	s29 =	simm.s32 $0x78  }
0x74: {  	[tilespmem:s5], [sflag:$0x4] =	stream.indirect.gather [hbm4b:s0+s11], $0x80, s29, s11, $0xb8;
	[tilespmem:$0x1F720] =	vst v63  }
0x75: {  	s29 =	simm.s32 $0xA0  }
0x76: {  	[tilespmem:s15], [sflag:$0x5] =	stream.indirect.gather [hbm4b:s0+s11], $0x80, s29, s11, $0xb8;
	[tilespmem:$0x1F720] =	vst v63  }
0x77: {  	_ =	swait.ge [sflag:s16], $0xC80  }
0x78: {  	[sflag:s16] =	ssyncset.done $0x0  }
0x79: {  	[sflag:s16] =	ssyncadd.s32 $0xFFFFF380  }
0x7a: {  	_ =	swait.ge [sflag:s16], $0xC80  }
0x7b: {  	[sflag:s16] =	ssyncset.done $0x0  }
0x7c: {  	[sflag:s16] =	ssyncadd.s32 $0xFFFFF380  }
0x7d: {  	_ =	swait.ge [sflag:s16], $0xC80  }
0x7e: {  	[sflag:s16] =	ssyncset.done $0x0  }
0x7f: {  	[sflag:s16] =	ssyncadd.s32 $0xFFFFF380  }
0x80: {  	_ =	swait.ge [sflag:s16], $0xC80  }
0x81: {  	[sflag:s16] =	ssyncset.done $0x0  }
0x82: {  	[sflag:s16] =	ssyncadd.s32 $0xFFFFF380  }
0x83: {  	_ =	swait.ge [sflag:s16], $0xC80  }
0x84: {  	[sflag:s16] =	ssyncset.done $0x0  }
0x85: {  	[sflag:s16] =	ssyncadd.s32 $0xFFFFF380  }
0x86: {  	_ =	swait.ge [sflag:s16], $0xC80  }
0x87: {  	[sflag:s16] =	ssyncset.done $0x0  }
0x88: {  	[sflag:s16] =	ssyncadd.s32 $0xFFFFF380  }
0x89: {  	_ =	swait.ge [sflag:s16], $0xC80  }
0x8a: {  	[sflag:s16] =	ssyncset.done $0x0  }
0x8b: {  	[sflag:s16] =	ssyncadd.s32 $0xFFFFF380  }
0x8c: {  	_ =	swait.ge [sflag:s16], $0xC80  }
0x8d: {  	[sflag:s16] =	ssyncset.done $0x0  }
0x8e: {  	[sflag:s16] =	ssyncadd.s32 $0xFFFFF380  }
0x8f: {  	_ =	swait.ge [sflag:s16], $0xC80  }
0x90: {  	[sflag:s16] =	ssyncset.done $0x0  }
0x91: {  	[sflag:s16] =	ssyncadd.s32 $0xFFFFF380  }
0x92: {  	_ =	swait.ge [sflag:s16], $0xC80  }
0x93: {  	[sflag:s16] =	ssyncset.done $0x0  }
0x94: {  	[sflag:s16] =	ssyncadd.s32 $0xFFFFF380  }
0x95: {  	_ =	swait.ge [sflag:s16], $0xC80  }
0x96: {  	[sflag:s16] =	ssyncset.done $0x0  }
0x97: {  	[sflag:s16] =	ssyncadd.s32 $0xFFFFF380  }
0x98: {  	_ =	swait.ge [sflag:s16], $0xC80  }
0x99: {  	[sflag:s16] =	ssyncset.done $0x0  }
0x9a: {  	[sflag:s16] =	ssyncadd.s32 $0xFFFFF380  }
0x9b: {  	_ =	swait.ge [sflag:s16], $0xC80  }
0x9c: {  	[sflag:s16] =	ssyncset.done $0x0  }
0x9d: {  	[sflag:s16] =	ssyncadd.s32 $0xFFFFF380  }
0x9e: {  	_ =	swait.ge [sflag:s16], $0xC80  }
0x9f: {  	[sflag:s16] =	ssyncset.done $0x0  }
0xa0: {  	[sflag:s16] =	ssyncadd.s32 $0xFFFFF380  }
0xa1: {  	_ =	swait.ge [sflag:s16], $0xC80  }
0xa2: {  	[sflag:s16] =	ssyncset.done $0x0  }
0xa3: {  	[sflag:s16] =	ssyncadd.s32 $0xFFFFF380  }
0xa4: {  	_ =	swait.ge [sflag:s16], $0xC80  }
0xa5: {  	[sflag:s16] =	ssyncset.done $0x0  }
0xa6: {  	[sflag:s16] =	ssyncadd.s32 $0xFFFFF380  }
0xa7: {  	_ =	swait.ge [sflag:s16], $0xC80  }
0xa8: {  	[sflag:s16] =	ssyncset.done $0x0  }
0xa9: {  	[sflag:s16] =	ssyncadd.s32 $0xFFFFF380  }
0xaa: {  	_ =	swait.ge [sflag:s16], $0xC80  }
0xab: {  	[sflag:s16] =	ssyncset.done $0x0  }
0xac: {  	[sflag:s16] =	ssyncadd.s32 $0xFFFFF380  }
0xad: {  	_ =	swait.ge [sflag:s16], $0xC80  }
0xae: {  	[sflag:s16] =	ssyncset.done $0x0  }
0xaf: {  	[sflag:s16] =	ssyncadd.s32 $0xFFFFF380  }
0xb0: {  	_ =	swait.ge [sflag:s16], $0xC80  }
0xb1: {  	[sflag:s16] =	ssyncset.done $0x0  }
0xb2: {  	[sflag:s16] =	ssyncadd.s32 $0xFFFFF380  }
0xb3: {  	_ =	swait.ge [sflag:s16], $0xC80  }
0xb4: {  	[sflag:s16] =	ssyncset.done $0x0  }
0xb5: {  	[sflag:s16] =	ssyncadd.s32 $0xFFFFF380  }
0xb6: {  	_ =	swait.ge [sflag:s16], $0xC80  }
0xb7: {  	[sflag:s16] =	ssyncset.done $0x0  }
0xb8: {  	[sflag:s16] =	ssyncadd.s32 $0xFFFFF380  }
0xb9: {  	_ =	swait.ge [sflag:s16], $0xC80  }
0xba: {  	[sflag:s16] =	ssyncset.done $0x0  }
0xbb: {  	[sflag:s16] =	ssyncadd.s32 $0xFFFFF380  }
0xbc: {  	_ =	swait.ge [sflag:s16], $0xC80  }
0xbd: {  	[sflag:s16] =	ssyncset.done $0x0  }
0xbe: {  	[sflag:s16] =	ssyncadd.s32 $0xFFFFF380  }
0xbf: {  	_ =	swait.ge [sflag:s16], $0xC80  }
0xc0: {  	[sflag:s16] =	ssyncset.done $0x0  }
0xc1: {  	[sflag:s16] =	ssyncadd.s32 $0xFFFFF380  }
0xc2: {  	[bflag:$0x0] =	sbarrier.arrive $0xFFFF  }
0xc3: {  	_ =	swait.ge [sflag:s9], $0x1400  }
0xc4: {  	[sflag:s9] =	ssyncset.done $0x0  }
0xc5: {  	s29 =	simm.s32 $0x2710;
	[sflag:s9] =	ssyncadd.s32 $0xFFFFEC00  }
0xc6: {  	[spmem:s3] =	stream.indirect.scatter.add.f32 [tilespmem:s12], [sflag:$0x6], $0x80, s29, s11, $0xb8;
	[tilespmem:$0x1F720] =	vst v63  }
0xc7: {  	_ =	swait.ge [sflag:s10], $0x1400  }
0xc8: {  	[sflag:s10] =	ssyncset.done $0x0  }
0xc9: {  	s29 =	simm.s32 $0x2738;
	[sflag:s10] =	ssyncadd.s32 $0xFFFFEC00  }
0xca: {  	[spmem:s3] =	stream.indirect.scatter.add.f32 [tilespmem:s13], [sflag:$0x7], $0x80, s29, s11, $0xb8;
	[tilespmem:$0x1F720] =	vst v63  }
0xcb: {  	_ =	swait.ge [sflag:s17], $0x1400  }
0xcc: {  	[sflag:s17] =	ssyncset.done $0x0  }
0xcd: {  	s29 =	simm.s32 $0x2760;
	[sflag:s17] =	ssyncadd.s32 $0xFFFFEC00  }
0xce: {  	[spmem:s3] =	stream.indirect.scatter.add.f32 [tilespmem:s14], [sflag:$0x8], $0x80, s29, s11, $0xb8;
	[tilespmem:$0x1F720] =	vst v63  }
0xcf: {  	_ =	swait.ge [sflag:s18], $0x1400  }
0xd0: {  	[sflag:s18] =	ssyncset.done $0x0  }
0xd1: {  	s29 =	simm.s32 $0x2788;
	[sflag:s18] =	ssyncadd.s32 $0xFFFFEC00  }
0xd2: {  	[spmem:s3] =	stream.indirect.scatter.add.f32 [tilespmem:s5], [sflag:$0x9], $0x80, s29, s11, $0xb8;
	[tilespmem:$0x1F720] =	vst v63  }
0xd3: {  	_ =	swait.ge [sflag:s19], $0x1400  }
0xd4: {  	[sflag:s19] =	ssyncset.done $0x0  }
0xd5: {  	s29 =	simm.s32 $0x27B0;
	[sflag:s19] =	ssyncadd.s32 $0xFFFFEC00  }
0xd6: {  	[spmem:s3] =	stream.indirect.scatter.add.f32 [tilespmem:s15], [sflag:$0xA], $0x80, s29, s11, $0xb8;
	[tilespmem:$0x1F720] =	vst v63  }
0xd7: {  	_ =	swait.ge [sflag:s16], $0x1400  }
0xd8: {  	[sflag:s16] =	ssyncset.done $0x0  }
0xd9: {  	s29 =	simm.s32 $0xC8;
	[sflag:s16] =	ssyncadd.s32 $0xFFFFEC00  }
0xda: {  	[tilespmem:s12], [sflag:$0x1] =	stream.indirect.gather [hbm4b:s0+s11], $0x80, s29, s11, $0xb8;
	[tilespmem:$0x1F720] =	vst v63  }
0xdb: {  	_ =	swait.ge [sflag:s20], $0x1400  }
0xdc: {  	[sflag:s20] =	ssyncset.done $0x0  }
0xdd: {  	s29 =	simm.s32 $0xF0;
	[sflag:s20] =	ssyncadd.s32 $0xFFFFEC00  }
0xde: {  	[tilespmem:s13], [sflag:$0x2] =	stream.indirect.gather [hbm4b:s0+s11], $0x80, s29, s11, $0xb8;
	[tilespmem:$0x1F720] =	vst v63  }
0xdf: {  	_ =	swait.ge [sflag:s21], $0x1400  }
0xe0: {  	[sflag:s21] =	ssyncset.done $0x0  }
0xe1: {  	s29 =	simm.s32 $0x118;
	[sflag:s21] =	ssyncadd.s32 $0xFFFFEC00  }
0xe2: {  	[tilespmem:s14], [sflag:$0x3] =	stream.indirect.gather [hbm4b:s0+s11], $0x80, s29, s11, $0xb8;
	[tilespmem:$0x1F720] =	vst v63  }
0xe3: {  	_ =	swait.ge [sflag:s22], $0x1400  }
0xe4: {  	[sflag:s22] =	ssyncset.done $0x0  }
0xe5: {  	s29 =	simm.s32 $0x140;
	[sflag:s22] =	ssyncadd.s32 $0xFFFFEC00  }
0xe6: {  	[tilespmem:s5], [sflag:$0x4] =	stream.indirect.gather [hbm4b:s0+s11], $0x80, s29, s11, $0xb8;
	[tilespmem:$0x1F720] =	vst v63  }
0xe7: {  	_ =	swait.ge [sflag:s23], $0x1400  }
0xe8: {  	[sflag:s23] =	ssyncset.done $0x0  }
0xe9: {  	s26 =	simm.s32 $0x320;
	s28 =	simm.s32 $0x168;
	[sflag:s23] =	ssyncadd.s32 $0xFFFFEC00  }
.LBB2_4:
0xea: {  	[tilespmem:s15], [sflag:$0x5] =	stream.indirect.gather [hbm4b:s0+s11], $0x80, s28, s11, $0xb8;
	[tilespmem:$0x1F720] =	vst v63  }
0xeb: {  	s28 =	smov.u32 s26  }
0xec: {  	p0 =	sne.s32 s26, $0x9600;
	s26 =	sadd.s32 $0x320, s26;
	_ =	swait.ge [sflag:s9], $0x1400  }
0xed: {  	s28 =	sshra.s32 s28, $0x2;
	[sflag:s9] =	ssyncset.done $0x0  }
0xee: {  	s29 =	sadd.s32 $0x2710, s28;
	[sflag:s9] =	ssyncadd.s32 $0xFFFFEC00  }
0xef: {  	[spmem:s3] =	stream.indirect.scatter.add.f32 [tilespmem:s12], [sflag:$0x6], $0x80, s29, s11, $0xb8;
	[tilespmem:$0x1F720] =	vst v63  }
0xf0: {  	_ =	swait.ge [sflag:s10], $0x1400  }
0xf1: {  	[sflag:s10] =	ssyncset.done $0x0  }
0xf2: {  	s29 =	sadd.s32 $0x2738, s28;
	[sflag:s10] =	ssyncadd.s32 $0xFFFFEC00  }
0xf3: {  	[spmem:s3] =	stream.indirect.scatter.add.f32 [tilespmem:s13], [sflag:$0x7], $0x80, s29, s11, $0xb8;
	[tilespmem:$0x1F720] =	vst v63  }
0xf4: {  	_ =	swait.ge [sflag:s17], $0x1400  }
0xf5: {  	[sflag:s17] =	ssyncset.done $0x0  }
0xf6: {  	s29 =	sadd.s32 $0x2760, s28;
	[sflag:s17] =	ssyncadd.s32 $0xFFFFEC00  }
0xf7: {  	[spmem:s3] =	stream.indirect.scatter.add.f32 [tilespmem:s14], [sflag:$0x8], $0x80, s29, s11, $0xb8;
	[tilespmem:$0x1F720] =	vst v63  }
0xf8: {  	_ =	swait.ge [sflag:s18], $0x1400  }
0xf9: {  	[sflag:s18] =	ssyncset.done $0x0  }
0xfa: {  	s29 =	sadd.s32 $0x2788, s28;
	[sflag:s18] =	ssyncadd.s32 $0xFFFFEC00  }
0xfb: {  	[spmem:s3] =	stream.indirect.scatter.add.f32 [tilespmem:s5], [sflag:$0x9], $0x80, s29, s11, $0xb8;
	[tilespmem:$0x1F720] =	vst v63  }
0xfc: {  	_ =	swait.ge [sflag:s19], $0x1400  }
0xfd: {  	[sflag:s19] =	ssyncset.done $0x0  }
0xfe: {  	s29 =	sadd.s32 $0x27B0, s28;
	[sflag:s19] =	ssyncadd.s32 $0xFFFFEC00  }
0xff: {  	[spmem:s3] =	stream.indirect.scatter.add.f32 [tilespmem:s15], [sflag:$0xA], $0x80, s29, s11, $0xb8;
	[tilespmem:$0x1F720] =	vst v63  }
0x100: {  	_ =	swait.ge [sflag:s16], $0x1400  }
0x101: {  	[sflag:s16] =	ssyncset.done $0x0  }
0x102: {  	s29 =	sadd.s32 $0xC8, s28;
	[sflag:s16] =	ssyncadd.s32 $0xFFFFEC00  }
0x103: {  	[tilespmem:s12], [sflag:$0x1] =	stream.indirect.gather [hbm4b:s0+s11], $0x80, s29, s11, $0xb8;
	[tilespmem:$0x1F720] =	vst v63  }
0x104: {  	_ =	swait.ge [sflag:s20], $0x1400  }
0x105: {  	[sflag:s20] =	ssyncset.done $0x0  }
0x106: {  	s29 =	sadd.s32 $0xF0, s28;
	[sflag:s20] =	ssyncadd.s32 $0xFFFFEC00  }
0x107: {  	[tilespmem:s13], [sflag:$0x2] =	stream.indirect.gather [hbm4b:s0+s11], $0x80, s29, s11, $0xb8;
	[tilespmem:$0x1F720] =	vst v63  }
0x108: {  	_ =	swait.ge [sflag:s21], $0x1400  }
0x109: {  	[sflag:s21] =	ssyncset.done $0x0  }
0x10a: {  	s29 =	sadd.s32 $0x118, s28;
	[sflag:s21] =	ssyncadd.s32 $0xFFFFEC00  }
0x10b: {  	[tilespmem:s14], [sflag:$0x3] =	stream.indirect.gather [hbm4b:s0+s11], $0x80, s29, s11, $0xb8;
	[tilespmem:$0x1F720] =	vst v63  }
0x10c: {  	_ =	swait.ge [sflag:s22], $0x1400  }
0x10d: {  	[sflag:s22] =	ssyncset.done $0x0  }
.Ltmp1:
0x10e: {  	s29 =	sadd.s32 $0x140, s28;
	[sflag:s22] =	ssyncadd.s32 $0xFFFFEC00;
	(pc) =	sbr.rel @p0 .LBB2_4-.Ltmp1, $4  }
0x10f: {  	[tilespmem:s5], [sflag:$0x4] =	stream.indirect.gather [hbm4b:s0+s11], $0x80, s29, s11, $0xb8;
	[tilespmem:$0x1F720] =	vst v63  }
0x110: {  	_ =	swait.ge [sflag:s23], $0x1400  }
0x111: {  	[sflag:s23] =	ssyncset.done $0x0  }
0x112: {  	s28 =	sadd.s32 $0x168, s28;
	[sflag:s23] =	ssyncadd.s32 $0xFFFFEC00  }
0x113: {  	[tilespmem:s15], [sflag:$0x5] =	stream.indirect.gather [hbm4b:s0+s11], $0x80, s28, s11, $0xb8;
	[tilespmem:$0x1F720] =	vst v63  }
0x114: {  	_ =	swait.ge [sflag:s9], $0x1400  }
0x115: {  	[sflag:s9] =	ssyncset.done $0x0  }
0x116: {  	s26 =	simm.s32 $0x4D58;
	[sflag:s9] =	ssyncadd.s32 $0xFFFFEC00  }
0x117: {  	[spmem:s3] =	stream.indirect.scatter.add.f32 [tilespmem:s12], [sflag:$0x6], $0x80, s26, s11, $0xb8;
	[tilespmem:$0x1F720] =	vst v63  }
0x118: {  	_ =	swait.ge [sflag:s10], $0x1400  }
0x119: {  	[sflag:s10] =	ssyncset.done $0x0  }
0x11a: {  	s28 =	simm.s32 $0x4D80;
	[sflag:s10] =	ssyncadd.s32 $0xFFFFEC00  }
0x11b: {  	[spmem:s3] =	stream.indirect.scatter.add.f32 [tilespmem:s13], [sflag:$0x7], $0x80, s28, s11, $0xb8;
	[tilespmem:$0x1F720] =	vst v63  }
0x11c: {  	_ =	swait.ge [sflag:s17], $0x1400  }
0x11d: {  	[sflag:s17] =	ssyncset.done $0x0  }
0x11e: {  	s29 =	simm.s32 $0x4DA8;
	[sflag:s17] =	ssyncadd.s32 $0xFFFFEC00  }
0x11f: {  	[spmem:s3] =	stream.indirect.scatter.add.f32 [tilespmem:s14], [sflag:$0x8], $0x80, s29, s11, $0xb8;
	[tilespmem:$0x1F720] =	vst v63  }
0x120: {  	_ =	swait.ge [sflag:s18], $0x1400  }
0x121: {  	[sflag:s18] =	ssyncset.done $0x0  }
0x122: {  	s28 =	simm.s32 $0x4DD0;
	[sflag:s18] =	ssyncadd.s32 $0xFFFFEC00  }
0x123: {  	[spmem:s3] =	stream.indirect.scatter.add.f32 [tilespmem:s5], [sflag:$0x9], $0x80, s28, s11, $0xb8;
	[tilespmem:$0x1F720] =	vst v63  }
0x124: {  	_ =	swait.ge [sflag:s19], $0x1400  }
0x125: {  	[sflag:s19] =	ssyncset.done $0x0  }
0x126: {  	s29 =	simm.s32 $0x4DF8;
	[sflag:s19] =	ssyncadd.s32 $0xFFFFEC00  }
0x127: {  	[spmem:s3] =	stream.indirect.scatter.add.f32 [tilespmem:s15], [sflag:$0xA], $0x80, s29, s11, $0xb8;
	[tilespmem:$0x1F720] =	vst v63  }
0x128: {  	_ =	swait.ge [sflag:s16], $0x1400  }
0x129: {  	[sflag:s16] =	ssyncset.done $0x0  }
0x12a: {  	[sflag:s16] =	ssyncadd.s32 $0xFFFFEC00  }
0x12b: {  	_ =	swait.ge [sflag:s20], $0x1400  }
0x12c: {  	[sflag:s20] =	ssyncset.done $0x0  }
0x12d: {  	[sflag:s20] =	ssyncadd.s32 $0xFFFFEC00  }
0x12e: {  	_ =	swait.ge [sflag:s21], $0x1400  }
0x12f: {  	[sflag:s21] =	ssyncset.done $0x0  }
0x130: {  	[sflag:s21] =	ssyncadd.s32 $0xFFFFEC00  }
0x131: {  	_ =	swait.ge [sflag:s22], $0x1400  }
0x132: {  	[sflag:s22] =	ssyncset.done $0x0  }
0x133: {  	[sflag:s22] =	ssyncadd.s32 $0xFFFFEC00  }
0x134: {  	_ =	swait.ge [sflag:s23], $0x1400  }
0x135: {  	[sflag:s23] =	ssyncset.done $0x0  }
0x136: {  	[sflag:s23] =	ssyncadd.s32 $0xFFFFEC00  }
0x137: {  	s28 =	stileid.u32;
	[bflag:$0x0] =	sbarrier.arrive $0xFFFF  }
0x138: {  	s26 =	sshll.u32 s28, $0x6;
	s28 =	rddreg [dreg:$0x7]  }
0x139: {  	s26 =	sor.u32 $0x1C0B, s26;
	s29 =	rddreg [dreg:$0x18]  }
0x13a: {  	[hbm:s28], [sflag:s26] =	dma.local [spmem:s29], $0x2710  }
0x13b: {  	_ =	swait.ge [sflag:s24], $0x2710  }
0x13c: {  	s25 =	sadd.s32 $0x1, s25;
	s29 =	rddreg [dreg:$0x8]  }
0x13d: {  	p0 =	sne.s32 s25, s29  }
.Ltmp2:
0x13e: {  	_ = 	snop;
	(pc) =	sbr.rel @p0 .LBB2_1-.Ltmp2, $3  }
0x13f: {  	_ =	sdelay $0x1  }
0x140: {  	[sflag:s24] =	ssyncset.done $0x0  }
0x141: {  	[sflag:s24] =	ssyncadd.s32 $0xFFFFD8F0  }
0x142: {  	_ =	sfence.sel $0x180000  }
0x143: {  	[bflag:$0x0] =	sbarrier.arrive $0xFFFF  }
0x144: {  	_ =	strace $0x90000047  }
0x145: {  	s0 =	stileid.u32;
	[bflag:$0x2] =	sbarrier.arrive $0xFFFF  }
0x146: {  	p0 =	sne.s32 s0, $0x0;
	s0 =	rddreg [dreg:$0x4]  }
0x147: {  	s0 =	sadd.s32 @!p0 $0x100000, s0  }
0x148: {  	[sflag:s0] =	ssyncadd.tile.s32 @!p0 $0x1;
	_ =	shalt  }
.Lfunc_end2:
_tile_overlayer_lowered:
.L_overlay_start_2:
0x149: {  	(tag) =	ssettag $0x2  }
0x14a: {  	s0 =	rddreg [dreg:$0x0];
	s2 =	stileid.u32  }
0x14b: {  	s1 =	rddreg [dreg:$0x1];
	p0 =	sne.s32 s2, $0x0  }
0x14c: {  	s3 =	rddreg [dreg:$0x2];
	[bflag:$0x3] =	sbarrier.arrive $0xFFFF;
	s2 =	simm.s32 @!p0 $0x1C0B  }
0x14d: {  	[timem:s3], [sflag:s2] =	dma.local @!p0 [hbm:s0], s1  }
0x14e: {  	s0 =	simm.s32 @!p0 $0xB  }
0x14f: {  	_ =	swait.ge @!p0 [sflag:s0], s1  }
0x150: {  	s1 =	ssub.s32 @!p0 $0x0, s1;
	[sflag:s0] =	ssyncset.done @!p0 $0x0  }
0x151: {  	[sflag:s0] =	ssyncadd.s32 @!p0 s1  }
0x152: {  	[bflag:$0x3] =	sbarrier.arrive $0xFFFF  }
0x153: {  	_ =	shalt  }

// kernel: kernel.9.cloned.1.call-start
scs
__scs_entry_jumppad:
0x0: {  	(pc) =	sbr.rel $0x88, $3  }
0x1: {  	(tag) =	ssettag $0x0;
	lr =	simm.s32 $0x1  }
0x2: {  	[smem:$0x3F9B] =	sst lr;
	_ =	strace $0xD0000000  }
0x3: {  	_ = 	snop  }
0x4: {  	_ = 	snop  }
0x5: {  	_ = 	snop  }
0x6: {  	_ = 	snop  }
0x7: {  	_ = 	snop  }
__scs_overlays_trampoline_lowered:
0x8: {  	[smem:$0x3FAA] =	sst s0  }
0x9: {  	[smem:$0x3FAB] =	sst s1  }
0xa: {  	[smem:$0x3FAC] =	sst s2  }
0xb: {  	[smem:$0x3FAD] =	sst s3  }
0xc: {  	[smem:$0x3FAE] =	sst s4  }
0xd: {  	[smem:$0x3FAF] =	sst s5  }
0xe: {  	[smem:$0x3FB0] =	sst s6  }
0xf: {  	[smem:$0x3FB1] =	sst s7  }
0x10: {  	[smem:$0x3FB2] =	sst s8  }
0x11: {  	[smem:$0x3FB3] =	sst s9;
	s0 =	simm.s32 @!p0 $0x0  }
0x12: {  	s1 =	sld [smem:$0x3F99];
	s0 =	simm.s32 @p0 $0x1  }
0x13: {  	[smem:$0x3FB4] =	sst s0;
	s0 =	simm.s32 @!p1 $0x0  }
0x14: {  	s2 =	sld [smem:$0x3F98];
	s0 =	simm.s32 @p1 $0x1  }
0x15: {  	[smem:$0x3FB5] =	sst s0;
	s0 =	simm.s32 @!p2 $0x0  }
0x16: {  	s3 =	sld [smem:$0x3FDB];
	s0 =	simm.s32 @p2 $0x1  }
0x17: {  	s4 =	simm.s32 $0x1BF5;
	[smem:$0x3FB7] =	sst s0  }
0x18: {  	s0 =	sld [smem:$0x3F9A];
	_ =	swait.ge [sflag:s4], $0x0  }
0x19: {  	s7 =	sld [smem:$0x3F9B]  }
0x1a: {  	s8 =	sadd.s32 $0xFFFFE003, lr  }
0x1b: {  	s9 =	sadd.s32 $0xFFFFFEF7, lr;
	s5 =	simm.s32 $0xFFFFFFFF;
	p2 =	slt.u32 s8, $0xFFFFF086  }
0x1c: {  	p1 =	slt.u32 s9, $0xF7A;
	s5 =	simm.s32 @!p2 $0x0  }
0x1d: {  	s5 =	simm.s32 @p1 $0x1;
	p0 =	seq.s32 s7, s2  }
0x1e: {  	s7 =	smul.u32 @!p0 $0xF7A, s2;
	p2 =	seq.s32 @!p0 s5, $0x0  }
0x1f: {  	s9 =	smul.u32 $0xF7A, s1;
	s8 =	simm.s32 @!p0 $0x1BF5;
	p2 =	por !p2, p0  }
0x20: {  	[sflag:s8] =	ssyncset.s32 @!p0 $0xFFFFF086;
	s6 =	sadd.s32 @!p0 s3, s7;
	s7 =	simm.s32 @!p0 $0x108  }
0x21: {  	s3 =	sadd.s32 s3, s9;
	s6 =	sadd.s32 @!p0 $0x88, s6;
	s7 =	simm.s32 @p2 $0x1082  }
0x22: {  	[simem:s7], [sflag:s8] =	dma.local @!p0 [hbm:s6], $0xF7A  }
0x23: {  	s9 =	sor.u32 $0xD0000000, s2;
	s6 =	simm.s32 $0x108;
	_ =	swait.ge @!p0 [sflag:s8], $0x0  }
0x24: {  	s3 =	sadd.s32 $0x88, s3;
	s6 =	simm.s32 @!p1 $0x1082;
	[sflag:s4] =	ssyncset.s32 $0xFFFFF086  }
0x25: {  	[simem:s6], [sflag:s4] =	dma.local [hbm:s3], $0xF7A  }
0x26: {  	[smem:$0x3F9B] =	sst s1;
	(tag) =	ssettag s2;
	_ =	strace s9  }
0x27: {  	s1 =	sld [smem:$0x3FAB]  }
0x28: {  	s2 =	sld [smem:$0x3FAC]  }
0x29: {  	s4 =	sld [smem:$0x3FAE]  }
0x2a: {  	p0 =	seq.s32 s5, $0x0;
	s5 =	sld [smem:$0x3FAF]  }
0x2b: {  	s6 =	sld [smem:$0x3FB0]  }
0x2c: {  	s7 =	sld [smem:$0x3FB1]  }
0x2d: {  	s3 =	simm.s32 $0x108;
	s8 =	sld [smem:$0x3FB2]  }
0x2e: {  	s3 =	simm.s32 @!p0 $0x1082;
	s9 =	sld [smem:$0x3FB3]  }
0x2f: {  	lr =	sadd.s32 s0, s3;
	s0 =	sld [smem:$0x3FAA]  }
0x30: {  	s3 =	sld [smem:$0x3FAD]  }
0x31: {  	[smem:$0x3FB6] =	sst s10  }
0x32: {  	s10 =	sld [smem:$0x3FB4];
	_ =	sdelay $0x3  }
0x33: {  	p0 =	seq.s32 s10, $0x1;
	s10 =	sld [smem:$0x3FB6];
	_ =	sdelay $0x3  }
0x34: {  	[smem:$0x3FB6] =	sst s10  }
0x35: {  	s10 =	sld [smem:$0x3FB5];
	_ =	sdelay $0x3  }
0x36: {  	p1 =	seq.s32 s10, $0x1;
	s10 =	sld [smem:$0x3FB6];
	_ =	sdelay $0x3  }
0x37: {  	[smem:$0x3FB6] =	sst s10  }
0x38: {  	s10 =	sld [smem:$0x3FB7]  }
0x39: {  	_ = 	snop;
	(pc) =	sbr.ind lr, $3  }
0x3a: {  	_ = 	snop  }
0x3b: {  	_ = 	snop  }
0x3c: {  	p2 =	seq.s32 s10, $0x1;
	s10 =	sld [smem:$0x3FB6]  }
0x3d: {  	_ =	shalt  }
0x3e: {  	_ =	shalt  }
0x3f: {  	_ =	shalt  }
0x40: {  	_ =	shalt  }
0x41: {  	_ =	shalt  }
0x42: {  	_ =	shalt  }
0x43: {  	_ =	shalt  }
0x44: {  	_ =	shalt  }
0x45: {  	_ =	shalt  }
0x46: {  	_ =	shalt  }
0x47: {  	_ =	shalt  }
0x48: {  	_ =	shalt  }
0x49: {  	_ =	shalt  }
0x4a: {  	_ =	shalt  }
0x4b: {  	_ =	shalt  }
0x4c: {  	_ =	shalt  }
0x4d: {  	_ =	shalt  }
0x4e: {  	_ =	shalt  }
0x4f: {  	_ =	shalt  }
0x50: {  	_ =	shalt  }
0x51: {  	_ =	shalt  }
0x52: {  	_ =	shalt  }
0x53: {  	_ =	shalt  }
0x54: {  	_ =	shalt  }
0x55: {  	_ =	shalt  }
0x56: {  	_ =	shalt  }
0x57: {  	_ =	shalt  }
0x58: {  	_ =	shalt  }
0x59: {  	_ =	shalt  }
0x5a: {  	_ =	shalt  }
0x5b: {  	_ =	shalt  }
0x5c: {  	_ =	shalt  }
0x5d: {  	_ =	shalt  }
0x5e: {  	_ =	shalt  }
0x5f: {  	_ =	shalt  }
0x60: {  	_ =	shalt  }
0x61: {  	_ =	shalt  }
0x62: {  	_ =	shalt  }
0x63: {  	_ =	shalt  }
0x64: {  	_ =	shalt  }
0x65: {  	_ =	shalt  }
0x66: {  	_ =	shalt  }
0x67: {  	_ =	shalt  }
0x68: {  	_ =	shalt  }
0x69: {  	_ =	shalt  }
0x6a: {  	_ =	shalt  }
0x6b: {  	_ =	shalt  }
0x6c: {  	_ =	shalt  }
0x6d: {  	_ =	shalt  }
0x6e: {  	_ =	shalt  }
0x6f: {  	_ =	shalt  }
0x70: {  	_ =	shalt  }
0x71: {  	_ =	shalt  }
0x72: {  	_ =	shalt  }
0x73: {  	_ =	shalt  }
0x74: {  	_ =	shalt  }
0x75: {  	_ =	shalt  }
0x76: {  	_ =	shalt  }
0x77: {  	_ =	shalt  }
0x78: {  	_ =	shalt  }
0x79: {  	_ =	shalt  }
0x7a: {  	_ =	shalt  }
0x7b: {  	_ =	shalt  }
0x7c: {  	_ =	shalt  }
0x7d: {  	_ =	shalt  }
0x7e: {  	_ =	shalt  }
0x7f: {  	_ =	shalt  }
0x80: {  	_ =	shalt  }
0x81: {  	_ =	shalt  }
0x82: {  	_ =	shalt  }
0x83: {  	_ =	shalt  }
0x84: {  	_ =	shalt  }
0x85: {  	_ =	shalt  }
0x86: {  	_ =	shalt  }
0x87: {  	_ =	shalt  }
.Lfunc_end0:
.L_simem_size_0:
called_computation.1_lowered:
.L_overlay_start_0:
0x88: {  	s2 =	sld [smem:$0x3FD9]  }
0x89: {  	s3 =	sld [smem:$0x3FFE];
	_ =	sdelay $0x1  }
0x8a: {  	s1 =	srdreg.scid  }
0x8b: {  	s0 =	sand.u32 $0x1, s1  }
0x8c: {  	s17 =	sshll.u32 s0, $0xA;
	s2 =	sadd.s32 s3, s2  }
0x8d: {  	s2 =	sadd.s32 s2, s17  }
0x8e: {  	[smem:$0x3FC2] =	sst s2  }
0x8f: {  	_ = 	snop  }
0x90: {  	s2 =	sld [smem:$0x3FD0];
	(tm) =	ssettm $0x1  }
0x91: {  	s18 =	sld [smem:$0x3FFB];
	_ =	sdelay $0x3  }
0x92: {  	_ =	strace s18  }
0x93: {  	s3 =	sld [smem:$0x3FFC];
	_ =	sdelay $0x3  }
0x94: {  	_ =	strace s3  }
0x95: {  	s3 =	sld [smem:$0x3FFD];
	_ =	sdelay $0x3  }
0x96: {  	_ =	strace s3  }
0x97: {  	_ =	strace $0x8FFFFFFF  }
0x98: {  	s19 =	sld [smem:$0x3FDB];
	_ =	sdelay $0x1  }
0x99: {  	s4 =	simm.s32 $_scs_section_size  }
0x9a: {  	s5 =	simm.s32 $_size__tile_overlayer_lowered;
	s6 =	simm.s32 $_tile_overlayer_lowered  }
0x9b: {  	s22 =	simm.s32 $0x1BFF;
	s21 =	sshll.u32 s6, $0x1;
	s3 =	sadd.s32 s4, s19  }
0x9c: {  	s7 =	simm.s32 $0x0;
	s20 =	sshll.u32 s5, $0x1;
	s5 =	sadd.s32 s21, s3  }
0x9d: {  	[timem:s7], [sflag:s22] =	dma.local [hbm:s5], s20  }
0x9e: {  	_ =	swait.ge [sflag:s22], s20  }
0x9f: {  	s4 =	ssub.s32 $0x0, s20;
	[sflag:s22] =	ssyncset.done $0x0  }
0xa0: {  	[sflag:s22] =	ssyncadd.s32 s4;
	_ =	sdelay $0x1  }
0xa1: {  	s23 =	simm.s32 $0x1B8B  }
0xa2: {  	_ =	swait.ge [sflag:s23], $0x1  }
0xa3: {  	[sflag:s23] =	ssyncset.done $0x0  }
0xa4: {  	s25 =	simm.s32 $0x1B8E;
	s24 =	sld [smem:$0x3FFE];
	[sflag:s23] =	ssyncadd.s32 $0xFFFFFFFF  }
0xa5: {  	s26 =	simm.s32 $execute0_lowered;
	[smem:$0x3FD2] =	sst s25  }
0xa6: {  	s5 =	sshll.u32 s26, $0x1;
	_ =	strace $0x80000049;
	[dreg:$0x1] =	wrdreg $0xFFFFFFFF  }
0xa7: {  	s28 =	simm.s32 $_size_execute0_lowered;
	s3 =	sadd.s32 s3, s5;
	[dreg:$0x0] =	wrdreg $0x0  }
0xa8: {  	s5 =	sshll.u32 s28, $0x1;
	[dreg:$0x2] =	wrdreg s3  }
0xa9: {  	[dreg:$0x3] =	wrdreg s5  }
0xaa: {  	[dreg:$0x4] =	wrdreg $0xC0  }
0xab: {  	_ =	task [dreg:s7], $0x5FFFF  }
0xac: {  	[dreg:$0x1] =	wrdreg $0xFFFFFFFF  }
0xad: {  	[dreg:$0x0] =	wrdreg $0x60  }
0xae: {  	[dreg:$0x2] =	wrdreg s24  }
0xaf: {  	[dreg:$0x3] =	wrdreg s2  }
0xb0: {  	[dreg:$0x4] =	wrdreg $0xB8600  }
0xb1: {  	[dreg:$0x5] =	wrdreg $0x9  }
0xb2: {  	_ =	task.clear_ibuf [dreg:s7], $0x6FFFF;
	_ =	strace $0x90000049  }
0xb3: {  	s29 =	simm.s32 $0x9;
	_ =	strace $0x8000004B  }
0xb4: {  	_ =	swait.ge [sflag:s29], $0x1  }
0xb5: {  	[sflag:s29] =	ssyncadd.s32 $0xFFFFFFFF  }
0xb6: {  	_ =	strace $0x9000004B  }
0xb7: {  	_ =	sfence  }
0xb8: {  	s30 =	sld [smem:$0x0];
	_ =	sdelay $0x2  }
0xb9: {  	s31 =	sshll.u32 s1, $0xD;
	s1 =	sshrl.u32 s1, $0x2  }
0xba: {  	s3 =	sand.u32 $0x4000, s31;
	s1 =	sadd.s32 s1, s30  }
0xbb: {  	s0 =	sor.u32 s3, s0;
	s1 =	sshll.u32 s1, $0x11  }
0xbc: {  	s0 =	sor.u32 s1, s0  }
0xbd: {  	s0 =	sadd.s32 $0x8F2B, s0  }
0xbe: {  	[sflag:s0] =	ssyncadd.remote.s32 $0x1  }
0xbf: {  	_ =	sfence.sel $0xFFFF  }
0xc0: {  	[dreg:$0x0] =	wrdreg $0xFFFFFFFF;
	(pc) =	sbr.abs _section_cstart, $3  }
0xc1: {  	[dreg:$0x1] =	wrdreg $0xFFFFFFFF  }
0xc2: {  	_ =	task.clear_ibuf [dreg:s7], $0x2FFFF;
	_ =	strace $0x9FFFFFFF  }
0xc3: {  	(tm) =	ssettm $0x7FFFFFFF  }
tec
execute0_lowered:
.L_overlay_start_1:
0x0: {  	(tag) =	ssettag $0x1  }
0x1: {  	s0 =	rddreg [dreg:$0x0]  }
0x2: {  	s1 =	srdreg.scid;
	s8 =	stileid.u32  }
0x3: {  	s3 =	rddreg [dreg:$0x1];
	s5 =	smul.u32 $0x9C40, s8  }
0x4: {  	s1 =	sand.u32 $0x1, s1;
	s6 =	sshll.u32 s8, $0x1;
	s8 =	smul.u32 $0x27100, s8  }
0x5: {  	s4 =	smul.u32 $0x9C400, s1;
	s6 =	sor.u32 s1, s6;
	s1 =	ssub.s32 $0x2, s1  }
0x6: {  	s2 =	rddreg [dreg:$0x2];
	s29 =	sshrl.u32 s1, $0x1  }
0x7: {  	s7 =	simm.s32 $0x0;
	s9 =	sshrl.u32 s8, $0x2;
	s1 =	ssub.s32 s1, s29  }
0x8: {  	[smem:$0x7FF] =	sst s7;
	s8 =	sadd.s32 s9, s2;
	s1 =	smax.u32 s1, $0x1  }
0x9: {  	_ =	strace $0x8000004A;
	s11 =	sadd.s32 $0x640, s8;
	[dreg:$0x7] =	wrdreg s1  }
0xa: {  	s12 =	sadd.s32 $0xC80, s8;
	[dreg:$0x8] =	wrdreg s11  }
0xb: {  	s13 =	sadd.s32 $0x12C0, s8;
	[dreg:$0x9] =	wrdreg s12  }
0xc: {  	s14 =	sadd.s32 $0x1900, s8;
	[dreg:$0xa] =	wrdreg s13  }
0xd: {  	s15 =	sadd.s32 $0x1F40, s8;
	[dreg:$0xb] =	wrdreg s14  }
0xe: {  	s16 =	sadd.s32 $0x2580, s8;
	[dreg:$0xc] =	wrdreg s15  }
0xf: {  	s17 =	sadd.s32 $0x2BC0, s8;
	[dreg:$0xd] =	wrdreg s16  }
0x10: {  	s6 =	smul.u32 $0x2710, s6;
	s18 =	sadd.s32 $0x3200, s8;
	[dreg:$0xe] =	wrdreg s17  }
0x11: {  	s10 =	sadd.s32 s5, s2;
	s19 =	sadd.s32 $0x3840, s8;
	[dreg:$0xf] =	wrdreg s18  }
0x12: {  	s28 =	sadd.s32 s5, s4;
	s20 =	sadd.s32 $0x3E80, s8;
	[dreg:$0x10] =	wrdreg s19  }
0x13: {  	s4 =	sadd.s32 $0x1400, s0;
	s21 =	sadd.s32 $0x44C0, s8;
	[dreg:$0x11] =	wrdreg s20  }
0x14: {  	s9 =	simm.s32 $0x1;
	s22 =	sadd.s32 $0x4B00, s8;
	[dreg:$0x12] =	wrdreg s21  }
0x15: {  	s5 =	simm.s32 $0x8A20;
	s23 =	sadd.s32 $0x5140, s8;
	[dreg:$0x13] =	wrdreg s22  }
0x16: {  	s7 =	sshrl.u32 s28, $0x3;
	s24 =	sadd.s32 $0x5780, s8;
	[dreg:$0x14] =	wrdreg s23  }
0x17: {  	s6 =	sshrl.u32 s6, $0x3;
	s25 =	sadd.s32 $0x5DC0, s8;
	[dreg:$0x15] =	wrdreg s24  }
0x18: {  	s26 =	sadd.s32 $0x6400, s8;
	s28 =	sadd.s32 $0x6A40, s8;
	[dreg:$0x16] =	wrdreg s25  }
0x19: {  	s29 =	sadd.s32 $0x7080, s8;
	s30 =	sadd.s32 $0x76C0, s8;
	[dreg:$0x18] =	wrdreg s26  }
0x1a: {  	s31 =	sadd.s32 $0x7D00, s8;
	s0 =	sadd.s32 s7, s0;
	[dreg:$0x19] =	wrdreg s28  }
0x1b: {  	s3 =	sadd.s32 s3, s6;
	[dreg:$0x1a] =	wrdreg s29;
	s1 =	sadd.s32 $0x8340, s8  }
0x1c: {  	s6 =	sadd.s32 $0x9600, s8;
	s7 =	simm.s32 $0xB220;
	s11 =	simm.s32 $0x50  }
0x1d: {  	s12 =	simm.s32 $0x4E20;
	s13 =	simm.s32 $0x6220;
	s14 =	simm.s32 $0x7620  }
0x1e: {  	s15 =	simm.s32 $0x9E20;
	s16 =	simm.s32 $0x6;
	s17 =	simm.s32 $0x3  }
0x1f: {  	s18 =	simm.s32 $0x4;
	s19 =	simm.s32 $0x5;
	s20 =	simm.s32 $0x7  }
0x20: {  	s21 =	simm.s32 $0x8;
	s22 =	simm.s32 $0x9;
	s23 =	simm.s32 $0xA  }
0x21: {  	s24 =	simm.s32 $0xB;
	[dreg:$0x4] =	wrdreg s3;
	s3 =	sadd.s32 $0x9C40, s3  }
0x22: {  	s25 =	simm.s32 $0x0;
	s0 =	sadd.s32 $0x14E00, s0;
	[dreg:$0x5] =	wrdreg s3  }
0x23: {  	[dreg:$0x6] =	wrdreg s0;
	s0 =	sshrl.u32 s10, $0x3;
	s3 =	sadd.s32 $0x8FC0, s8  }
0x24: {  	v0 =	vimm.f32 $0.0e+00;
	s10 =	simm.s32 $0x2;
	[dreg:$0x17] =	wrdreg s0;
	s0 =	sadd.s32 $0x8980, s8  }
.LBB2_1:
0x25: {  	s26 =	simm.s32 $0x0;
	s28 =	rddreg [dreg:$0x4]  }
0x26: {  	[tilespmem:s26], [sflag:$0x1] =	stream.linear.gather [hbm4b:s28+s26], $0x2710, $0x38;
	[tilespmem:$0x154A0] =	vst v63  }
0x27: {  	s29 =	simm.s32 $0x2710;
	s28 =	rddreg [dreg:$0x5]  }
0x28: {  	[tilespmem:s29], [sflag:$0x2] =	stream.linear.gather [hbm4b:s28+s26], $0x2710, $0x38;
	[tilespmem:$0x154A0] =	vst v63  }
0x29: {  	s28 =	simm.s32 $0x100;
	s26 =	simm.s32 $0x0  }
.LBB2_2:
0x2a: {  	p0 =	sne.s32 s28, $0x1800;
	[tilespmem:s26+$0xB250] =	vst v0;
	s29 =	smov.u32 s28;
	s28 =	sadd.s32 $0x100, s28  }
.Ltmp0:
0x2b: {  	[tilespmem:s26+$0xB240] =	vst v0;
	(pc) =	sbr.rel @p0 .LBB2_2-.Ltmp0, $3  }
0x2c: {  	[tilespmem:s26+$0xB220] =	vst v0  }
0x2d: {  	[tilespmem:s26+$0xB230] =	vst v0;
	_ =	sdelay $0x1  }
0x2e: {  	s26 =	sshra.s32 s29, $0x2  }
0x2f: {  	[tilespmem:s26+$0xB250] =	vst v0  }
0x30: {  	[tilespmem:s26+$0xB240] =	vst v0  }
0x31: {  	[tilespmem:s26+$0xB220] =	vst v0  }
0x32: {  	[tilespmem:s26+$0xB230] =	vst v0  }
0x33: {  	[spmem:s8] =	stream.linear.scatter [tilespmem:s7], [sflag:$0x6], $0x640, $0x38;
	[tilespmem:$0x154A0] =	vst v63  }
0x34: {  	s29 =	rddreg [dreg:$0x8]  }
0x35: {  	[spmem:s29] =	stream.linear.scatter [tilespmem:s7], [sflag:$0x6], $0x640, $0x38;
	[tilespmem:$0x154A0] =	vst v63  }
0x36: {  	s29 =	rddreg [dreg:$0x9]  }
0x37: {  	[spmem:s29] =	stream.linear.scatter [tilespmem:s7], [sflag:$0x6], $0x640, $0x38;
	[tilespmem:$0x154A0] =	vst v63  }
0x38: {  	s29 =	rddreg [dreg:$0xa]  }
0x39: {  	[spmem:s29] =	stream.linear.scatter [tilespmem:s7], [sflag:$0x6], $0x640, $0x38;
	[tilespmem:$0x154A0] =	vst v63  }
0x3a: {  	s29 =	rddreg [dreg:$0xb]  }
0x3b: {  	[spmem:s29] =	stream.linear.scatter [tilespmem:s7], [sflag:$0x6], $0x640, $0x38;
	[tilespmem:$0x154A0] =	vst v63  }
0x3c: {  	s29 =	rddreg [dreg:$0xc]  }
0x3d: {  	[spmem:s29] =	stream.linear.scatter [tilespmem:s7], [sflag:$0x6], $0x640, $0x38;
	[tilespmem:$0x154A0] =	vst v63  }
0x3e: {  	s29 =	rddreg [dreg:$0xd]  }
0x3f: {  	[spmem:s29] =	stream.linear.scatter [tilespmem:s7], [sflag:$0x6], $0x640, $0x38;
	[tilespmem:$0x154A0] =	vst v63  }
0x40: {  	s29 =	rddreg [dreg:$0xe]  }
0x41: {  	[spmem:s29] =	stream.linear.scatter [tilespmem:s7], [sflag:$0x6], $0x640, $0x38;
	[tilespmem:$0x154A0] =	vst v63  }
0x42: {  	s29 =	rddreg [dreg:$0xf]  }
0x43: {  	[spmem:s29] =	stream.linear.scatter [tilespmem:s7], [sflag:$0x6], $0x640, $0x38;
	[tilespmem:$0x154A0] =	vst v63  }
0x44: {  	s29 =	rddreg [dreg:$0x10]  }
0x45: {  	[spmem:s29] =	stream.linear.scatter [tilespmem:s7], [sflag:$0x6], $0x640, $0x38;
	[tilespmem:$0x154A0] =	vst v63  }
0x46: {  	s29 =	rddreg [dreg:$0x11]  }
0x47: {  	[spmem:s29] =	stream.linear.scatter [tilespmem:s7], [sflag:$0x6], $0x640, $0x38;
	[tilespmem:$0x154A0] =	vst v63  }
0x48: {  	s29 =	rddreg [dreg:$0x12]  }
0x49: {  	[spmem:s29] =	stream.linear.scatter [tilespmem:s7], [sflag:$0x6], $0x640, $0x38;
	[tilespmem:$0x154A0] =	vst v63  }
0x4a: {  	s29 =	rddreg [dreg:$0x13]  }
0x4b: {  	[spmem:s29] =	stream.linear.scatter [tilespmem:s7], [sflag:$0x6], $0x640, $0x38;
	[tilespmem:$0x154A0] =	vst v63  }
0x4c: {  	s29 =	rddreg [dreg:$0x14]  }
0x4d: {  	[spmem:s29] =	stream.linear.scatter [tilespmem:s7], [sflag:$0x6], $0x640, $0x38;
	[tilespmem:$0x154A0] =	vst v63  }
0x4e: {  	s29 =	rddreg [dreg:$0x15]  }
0x4f: {  	[spmem:s29] =	stream.linear.scatter [tilespmem:s7], [sflag:$0x6], $0x640, $0x38;
	[tilespmem:$0x154A0] =	vst v63  }
0x50: {  	s29 =	rddreg [dreg:$0x16]  }
0x51: {  	[spmem:s29] =	stream.linear.scatter [tilespmem:s7], [sflag:$0x6], $0x640, $0x38;
	[tilespmem:$0x154A0] =	vst v63  }
0x52: {  	s29 =	rddreg [dreg:$0x18]  }
0x53: {  	[spmem:s29] =	stream.linear.scatter [tilespmem:s7], [sflag:$0x6], $0x640, $0x38;
	[tilespmem:$0x154A0] =	vst v63  }
0x54: {  	s29 =	rddreg [dreg:$0x19]  }
0x55: {  	[spmem:s29] =	stream.linear.scatter [tilespmem:s7], [sflag:$0x6], $0x640, $0x38;
	[tilespmem:$0x154A0] =	vst v63  }
0x56: {  	s29 =	rddreg [dreg:$0x1a]  }
0x57: {  	[spmem:s29] =	stream.linear.scatter [tilespmem:s7], [sflag:$0x6], $0x640, $0x38;
	[tilespmem:$0x154A0] =	vst v63  }
0x58: {  	_ = 	snop  }
0x59: {  	[spmem:s30] =	stream.linear.scatter [tilespmem:s7], [sflag:$0x6], $0x640, $0x38;
	[tilespmem:$0x154A0] =	vst v63  }
0x5a: {  	_ = 	snop  }
0x5b: {  	[spmem:s31] =	stream.linear.scatter [tilespmem:s7], [sflag:$0x6], $0x640, $0x38;
	[tilespmem:$0x154A0] =	vst v63  }
0x5c: {  	_ = 	snop  }
0x5d: {  	[spmem:s1] =	stream.linear.scatter [tilespmem:s7], [sflag:$0x6], $0x640, $0x38;
	[tilespmem:$0x154A0] =	vst v63  }
0x5e: {  	_ = 	snop  }
0x5f: {  	[spmem:s0] =	stream.linear.scatter [tilespmem:s7], [sflag:$0x6], $0x640, $0x38;
	[tilespmem:$0x154A0] =	vst v63  }
0x60: {  	_ = 	snop  }
0x61: {  	[spmem:s3] =	stream.linear.scatter [tilespmem:s7], [sflag:$0x6], $0x640, $0x38;
	[tilespmem:$0x154A0] =	vst v63  }
0x62: {  	_ = 	snop  }
0x63: {  	[spmem:s6] =	stream.linear.scatter [tilespmem:s7], [sflag:$0x6], $0x640, $0x38;
	[tilespmem:$0x154A0] =	vst v63  }
0x64: {  	_ =	swait.ge [sflag:s9], $0x2710  }
0x65: {  	[sflag:s9] =	ssyncset.done $0x0  }
0x66: {  	[sflag:s9] =	ssyncadd.s32 $0xFFFFD8F0  }
0x67: {  	_ =	swait.ge [sflag:s10], $0x2710  }
0x68: {  	[sflag:s10] =	ssyncset.done $0x0  }
0x69: {  	s29 =	simm.s32 $0x0;
	[sflag:s10] =	ssyncadd.s32 $0xFFFFD8F0  }
0x6a: {  	[tilespmem:s12], [sflag:$0x1] =	stream.indirect.gather [hbm4b:s4+s11], $0x40, s29, s11, $0xb8;
	[tilespmem:$0x154A0] =	vst v63  }
0x6b: {  	_ = 	snop  }
0x6c: {  	[tilespmem:s13], [sflag:$0x2] =	stream.indirect.gather [hbm4b:s4+s11], $0x40, s11, s11, $0xb8;
	[tilespmem:$0x154A0] =	vst v63  }
0x6d: {  	s29 =	simm.s32 $0xA0  }
0x6e: {  	[tilespmem:s14], [sflag:$0x3] =	stream.indirect.gather [hbm4b:s4+s11], $0x40, s29, s11, $0xb8;
	[tilespmem:$0x154A0] =	vst v63  }
0x6f: {  	s29 =	simm.s32 $0xF0  }
0x70: {  	[tilespmem:s5], [sflag:$0x4] =	stream.indirect.gather [hbm4b:s4+s11], $0x40, s29, s11, $0xb8;
	[tilespmem:$0x154A0] =	vst v63  }
0x71: {  	s29 =	simm.s32 $0x140  }
0x72: {  	[tilespmem:s15], [sflag:$0x5] =	stream.indirect.gather [hbm4b:s4+s11], $0x40, s29, s11, $0xb8;
	[tilespmem:$0x154A0] =	vst v63  }
0x73: {  	_ =	swait.ge [sflag:s16], $0x640  }
0x74: {  	[sflag:s16] =	ssyncset.done $0x0  }
0x75: {  	[sflag:s16] =	ssyncadd.s32 $0xFFFFF9C0  }
0x76: {  	_ =	swait.ge [sflag:s16], $0x640  }
0x77: {  	[sflag:s16] =	ssyncset.done $0x0  }
0x78: {  	[sflag:s16] =	ssyncadd.s32 $0xFFFFF9C0  }
0x79: {  	_ =	swait.ge [sflag:s16], $0x640  }
0x7a: {  	[sflag:s16] =	ssyncset.done $0x0  }
0x7b: {  	[sflag:s16] =	ssyncadd.s32 $0xFFFFF9C0  }
0x7c: {  	_ =	swait.ge [sflag:s16], $0x640  }
0x7d: {  	[sflag:s16] =	ssyncset.done $0x0  }
0x7e: {  	[sflag:s16] =	ssyncadd.s32 $0xFFFFF9C0  }
0x7f: {  	_ =	swait.ge [sflag:s16], $0x640  }
0x80: {  	[sflag:s16] =	ssyncset.done $0x0  }
0x81: {  	[sflag:s16] =	ssyncadd.s32 $0xFFFFF9C0  }
0x82: {  	_ =	swait.ge [sflag:s16], $0x640  }
0x83: {  	[sflag:s16] =	ssyncset.done $0x0  }
0x84: {  	[sflag:s16] =	ssyncadd.s32 $0xFFFFF9C0  }
0x85: {  	_ =	swait.ge [sflag:s16], $0x640  }
0x86: {  	[sflag:s16] =	ssyncset.done $0x0  }
0x87: {  	[sflag:s16] =	ssyncadd.s32 $0xFFFFF9C0  }
0x88: {  	_ =	swait.ge [sflag:s16], $0x640  }
0x89: {  	[sflag:s16] =	ssyncset.done $0x0  }
0x8a: {  	[sflag:s16] =	ssyncadd.s32 $0xFFFFF9C0  }
0x8b: {  	_ =	swait.ge [sflag:s16], $0x640  }
0x8c: {  	[sflag:s16] =	ssyncset.done $0x0  }
0x8d: {  	[sflag:s16] =	ssyncadd.s32 $0xFFFFF9C0  }
0x8e: {  	_ =	swait.ge [sflag:s16], $0x640  }
0x8f: {  	[sflag:s16] =	ssyncset.done $0x0  }
0x90: {  	[sflag:s16] =	ssyncadd.s32 $0xFFFFF9C0  }
0x91: {  	_ =	swait.ge [sflag:s16], $0x640  }
0x92: {  	[sflag:s16] =	ssyncset.done $0x0  }
0x93: {  	[sflag:s16] =	ssyncadd.s32 $0xFFFFF9C0  }
0x94: {  	_ =	swait.ge [sflag:s16], $0x640  }
0x95: {  	[sflag:s16] =	ssyncset.done $0x0  }
0x96: {  	[sflag:s16] =	ssyncadd.s32 $0xFFFFF9C0  }
0x97: {  	_ =	swait.ge [sflag:s16], $0x640  }
0x98: {  	[sflag:s16] =	ssyncset.done $0x0  }
0x99: {  	[sflag:s16] =	ssyncadd.s32 $0xFFFFF9C0  }
0x9a: {  	_ =	swait.ge [sflag:s16], $0x640  }
0x9b: {  	[sflag:s16] =	ssyncset.done $0x0  }
0x9c: {  	[sflag:s16] =	ssyncadd.s32 $0xFFFFF9C0  }
0x9d: {  	_ =	swait.ge [sflag:s16], $0x640  }
0x9e: {  	[sflag:s16] =	ssyncset.done $0x0  }
0x9f: {  	[sflag:s16] =	ssyncadd.s32 $0xFFFFF9C0  }
0xa0: {  	_ =	swait.ge [sflag:s16], $0x640  }
0xa1: {  	[sflag:s16] =	ssyncset.done $0x0  }
0xa2: {  	[sflag:s16] =	ssyncadd.s32 $0xFFFFF9C0  }
0xa3: {  	_ =	swait.ge [sflag:s16], $0x640  }
0xa4: {  	[sflag:s16] =	ssyncset.done $0x0  }
0xa5: {  	[sflag:s16] =	ssyncadd.s32 $0xFFFFF9C0  }
0xa6: {  	_ =	swait.ge [sflag:s16], $0x640  }
0xa7: {  	[sflag:s16] =	ssyncset.done $0x0  }
0xa8: {  	[sflag:s16] =	ssyncadd.s32 $0xFFFFF9C0  }
0xa9: {  	_ =	swait.ge [sflag:s16], $0x640  }
0xaa: {  	[sflag:s16] =	ssyncset.done $0x0  }
0xab: {  	[sflag:s16] =	ssyncadd.s32 $0xFFFFF9C0  }
0xac: {  	_ =	swait.ge [sflag:s16], $0x640  }
0xad: {  	[sflag:s16] =	ssyncset.done $0x0  }
0xae: {  	[sflag:s16] =	ssyncadd.s32 $0xFFFFF9C0  }
0xaf: {  	_ =	swait.ge [sflag:s16], $0x640  }
0xb0: {  	[sflag:s16] =	ssyncset.done $0x0  }
0xb1: {  	[sflag:s16] =	ssyncadd.s32 $0xFFFFF9C0  }
0xb2: {  	_ =	swait.ge [sflag:s16], $0x640  }
0xb3: {  	[sflag:s16] =	ssyncset.done $0x0  }
0xb4: {  	[sflag:s16] =	ssyncadd.s32 $0xFFFFF9C0  }
0xb5: {  	_ =	swait.ge [sflag:s16], $0x640  }
0xb6: {  	[sflag:s16] =	ssyncset.done $0x0  }
0xb7: {  	[sflag:s16] =	ssyncadd.s32 $0xFFFFF9C0  }
0xb8: {  	_ =	swait.ge [sflag:s16], $0x640  }
0xb9: {  	[sflag:s16] =	ssyncset.done $0x0  }
0xba: {  	[sflag:s16] =	ssyncadd.s32 $0xFFFFF9C0  }
0xbb: {  	_ =	swait.ge [sflag:s16], $0x640  }
0xbc: {  	[sflag:s16] =	ssyncset.done $0x0  }
0xbd: {  	[sflag:s16] =	ssyncadd.s32 $0xFFFFF9C0  }
0xbe: {  	[bflag:$0x0] =	sbarrier.arrive $0xFFFF  }
0xbf: {  	_ =	swait.ge [sflag:s9], $0x1400  }
0xc0: {  	[sflag:s9] =	ssyncset.done $0x0  }
0xc1: {  	s29 =	simm.s32 $0x2710;
	[sflag:s9] =	ssyncadd.s32 $0xFFFFEC00  }
0xc2: {  	[spmem:s2] =	stream.indirect.scatter.add.f32 [tilespmem:s12], [sflag:$0x6], $0x40, s29, s11, $0xb8;
	[tilespmem:$0x154A0] =	vst v63  }
0xc3: {  	_ =	swait.ge [sflag:s10], $0x1400  }
0xc4: {  	[sflag:s10] =	ssyncset.done $0x0  }
0xc5: {  	s29 =	simm.s32 $0x2760;
	[sflag:s10] =	ssyncadd.s32 $0xFFFFEC00  }
0xc6: {  	[spmem:s2] =	stream.indirect.scatter.add.f32 [tilespmem:s13], [sflag:$0x7], $0x40, s29, s11, $0xb8;
	[tilespmem:$0x154A0] =	vst v63  }
0xc7: {  	_ =	swait.ge [sflag:s17], $0x1400  }
0xc8: {  	[sflag:s17] =	ssyncset.done $0x0  }
0xc9: {  	s29 =	simm.s32 $0x27B0;
	[sflag:s17] =	ssyncadd.s32 $0xFFFFEC00  }
0xca: {  	[spmem:s2] =	stream.indirect.scatter.add.f32 [tilespmem:s14], [sflag:$0x8], $0x40, s29, s11, $0xb8;
	[tilespmem:$0x154A0] =	vst v63  }
0xcb: {  	_ =	swait.ge [sflag:s18], $0x1400  }
0xcc: {  	[sflag:s18] =	ssyncset.done $0x0  }
0xcd: {  	s29 =	simm.s32 $0x2800;
	[sflag:s18] =	ssyncadd.s32 $0xFFFFEC00  }
0xce: {  	[spmem:s2] =	stream.indirect.scatter.add.f32 [tilespmem:s5], [sflag:$0x9], $0x40, s29, s11, $0xb8;
	[tilespmem:$0x154A0] =	vst v63  }
0xcf: {  	_ =	swait.ge [sflag:s19], $0x1400  }
0xd0: {  	[sflag:s19] =	ssyncset.done $0x0  }
0xd1: {  	s29 =	simm.s32 $0x2850;
	[sflag:s19] =	ssyncadd.s32 $0xFFFFEC00  }
0xd2: {  	[spmem:s2] =	stream.indirect.scatter.add.f32 [tilespmem:s15], [sflag:$0xA], $0x40, s29, s11, $0xb8;
	[tilespmem:$0x154A0] =	vst v63  }
0xd3: {  	_ =	swait.ge [sflag:s16], $0x1400  }
0xd4: {  	[sflag:s16] =	ssyncset.done $0x0  }
0xd5: {  	s29 =	simm.s32 $0x190;
	[sflag:s16] =	ssyncadd.s32 $0xFFFFEC00  }
0xd6: {  	[tilespmem:s12], [sflag:$0x1] =	stream.indirect.gather [hbm4b:s4+s11], $0x40, s29, s11, $0xb8;
	[tilespmem:$0x154A0] =	vst v63  }
0xd7: {  	_ =	swait.ge [sflag:s20], $0x1400  }
0xd8: {  	[sflag:s20] =	ssyncset.done $0x0  }
0xd9: {  	s29 =	simm.s32 $0x1E0;
	[sflag:s20] =	ssyncadd.s32 $0xFFFFEC00  }
0xda: {  	[tilespmem:s13], [sflag:$0x2] =	stream.indirect.gather [hbm4b:s4+s11], $0x40, s29, s11, $0xb8;
	[tilespmem:$0x154A0] =	vst v63  }
0xdb: {  	_ =	swait.ge [sflag:s21], $0x1400  }
0xdc: {  	[sflag:s21] =	ssyncset.done $0x0  }
0xdd: {  	s29 =	simm.s32 $0x230;
	[sflag:s21] =	ssyncadd.s32 $0xFFFFEC00  }
0xde: {  	[tilespmem:s14], [sflag:$0x3] =	stream.indirect.gather [hbm4b:s4+s11], $0x40, s29, s11, $0xb8;
	[tilespmem:$0x154A0] =	vst v63  }
0xdf: {  	_ =	swait.ge [sflag:s22], $0x1400  }
0xe0: {  	[sflag:s22] =	ssyncset.done $0x0  }
0xe1: {  	s29 =	simm.s32 $0x280;
	[sflag:s22] =	ssyncadd.s32 $0xFFFFEC00  }
0xe2: {  	[tilespmem:s5], [sflag:$0x4] =	stream.indirect.gather [hbm4b:s4+s11], $0x40, s29, s11, $0xb8;
	[tilespmem:$0x154A0] =	vst v63  }
0xe3: {  	_ =	swait.ge [sflag:s23], $0x1400  }
0xe4: {  	[sflag:s23] =	ssyncset.done $0x0  }
0xe5: {  	s26 =	simm.s32 $0x640;
	s28 =	simm.s32 $0x2D0;
	[sflag:s23] =	ssyncadd.s32 $0xFFFFEC00  }
.LBB2_4:
0xe6: {  	[tilespmem:s15], [sflag:$0x5] =	stream.indirect.gather [hbm4b:s4+s11], $0x40, s28, s11, $0xb8;
	[tilespmem:$0x154A0] =	vst v63  }
0xe7: {  	s28 =	smov.u32 s26  }
0xe8: {  	p0 =	sne.s32 s26, $0x8FC0;
	s26 =	sadd.s32 $0x640, s26;
	_ =	swait.ge [sflag:s9], $0x1400  }
0xe9: {  	s28 =	sshra.s32 s28, $0x2;
	[sflag:s9] =	ssyncset.done $0x0  }
0xea: {  	s29 =	sadd.s32 $0x2710, s28;
	[sflag:s9] =	ssyncadd.s32 $0xFFFFEC00  }
0xeb: {  	[spmem:s2] =	stream.indirect.scatter.add.f32 [tilespmem:s12], [sflag:$0x6], $0x40, s29, s11, $0xb8;
	[tilespmem:$0x154A0] =	vst v63  }
0xec: {  	_ =	swait.ge [sflag:s10], $0x1400  }
0xed: {  	[sflag:s10] =	ssyncset.done $0x0  }
0xee: {  	s29 =	sadd.s32 $0x2760, s28;
	[sflag:s10] =	ssyncadd.s32 $0xFFFFEC00  }
0xef: {  	[spmem:s2] =	stream.indirect.scatter.add.f32 [tilespmem:s13], [sflag:$0x7], $0x40, s29, s11, $0xb8;
	[tilespmem:$0x154A0] =	vst v63  }
0xf0: {  	_ =	swait.ge [sflag:s17], $0x1400  }
0xf1: {  	[sflag:s17] =	ssyncset.done $0x0  }
0xf2: {  	s29 =	sadd.s32 $0x27B0, s28;
	[sflag:s17] =	ssyncadd.s32 $0xFFFFEC00  }
0xf3: {  	[spmem:s2] =	stream.indirect.scatter.add.f32 [tilespmem:s14], [sflag:$0x8], $0x40, s29, s11, $0xb8;
	[tilespmem:$0x154A0] =	vst v63  }
0xf4: {  	_ =	swait.ge [sflag:s18], $0x1400  }
0xf5: {  	[sflag:s18] =	ssyncset.done $0x0  }
0xf6: {  	s29 =	sadd.s32 $0x2800, s28;
	[sflag:s18] =	ssyncadd.s32 $0xFFFFEC00  }
0xf7: {  	[spmem:s2] =	stream.indirect.scatter.add.f32 [tilespmem:s5], [sflag:$0x9], $0x40, s29, s11, $0xb8;
	[tilespmem:$0x154A0] =	vst v63  }
0xf8: {  	_ =	swait.ge [sflag:s19], $0x1400  }
0xf9: {  	[sflag:s19] =	ssyncset.done $0x0  }
0xfa: {  	s29 =	sadd.s32 $0x2850, s28;
	[sflag:s19] =	ssyncadd.s32 $0xFFFFEC00  }
0xfb: {  	[spmem:s2] =	stream.indirect.scatter.add.f32 [tilespmem:s15], [sflag:$0xA], $0x40, s29, s11, $0xb8;
	[tilespmem:$0x154A0] =	vst v63  }
0xfc: {  	_ =	swait.ge [sflag:s16], $0x1400  }
0xfd: {  	[sflag:s16] =	ssyncset.done $0x0  }
0xfe: {  	s29 =	sadd.s32 $0x190, s28;
	[sflag:s16] =	ssyncadd.s32 $0xFFFFEC00  }
0xff: {  	[tilespmem:s12], [sflag:$0x1] =	stream.indirect.gather [hbm4b:s4+s11], $0x40, s29, s11, $0xb8;
	[tilespmem:$0x154A0] =	vst v63  }
0x100: {  	_ =	swait.ge [sflag:s20], $0x1400  }
0x101: {  	[sflag:s20] =	ssyncset.done $0x0  }
0x102: {  	s29 =	sadd.s32 $0x1E0, s28;
	[sflag:s20] =	ssyncadd.s32 $0xFFFFEC00  }
0x103: {  	[tilespmem:s13], [sflag:$0x2] =	stream.indirect.gather [hbm4b:s4+s11], $0x40, s29, s11, $0xb8;
	[tilespmem:$0x154A0] =	vst v63  }
0x104: {  	_ =	swait.ge [sflag:s21], $0x1400  }
0x105: {  	[sflag:s21] =	ssyncset.done $0x0  }
0x106: {  	s29 =	sadd.s32 $0x230, s28;
	[sflag:s21] =	ssyncadd.s32 $0xFFFFEC00  }
0x107: {  	[tilespmem:s14], [sflag:$0x3] =	stream.indirect.gather [hbm4b:s4+s11], $0x40, s29, s11, $0xb8;
	[tilespmem:$0x154A0] =	vst v63  }
0x108: {  	_ =	swait.ge [sflag:s22], $0x1400  }
0x109: {  	[sflag:s22] =	ssyncset.done $0x0  }
.Ltmp1:
0x10a: {  	s29 =	sadd.s32 $0x280, s28;
	[sflag:s22] =	ssyncadd.s32 $0xFFFFEC00;
	(pc) =	sbr.rel @p0 .LBB2_4-.Ltmp1, $4  }
0x10b: {  	[tilespmem:s5], [sflag:$0x4] =	stream.indirect.gather [hbm4b:s4+s11], $0x40, s29, s11, $0xb8;
	[tilespmem:$0x154A0] =	vst v63  }
0x10c: {  	_ =	swait.ge [sflag:s23], $0x1400  }
0x10d: {  	[sflag:s23] =	ssyncset.done $0x0  }
0x10e: {  	s28 =	sadd.s32 $0x2D0, s28;
	[sflag:s23] =	ssyncadd.s32 $0xFFFFEC00  }
0x10f: {  	[tilespmem:s15], [sflag:$0x5] =	stream.indirect.gather [hbm4b:s4+s11], $0x40, s28, s11, $0xb8;
	[tilespmem:$0x154A0] =	vst v63  }
0x110: {  	_ =	swait.ge [sflag:s9], $0x1400  }
0x111: {  	[sflag:s9] =	ssyncset.done $0x0  }
0x112: {  	s26 =	simm.s32 $0x4C90;
	[sflag:s9] =	ssyncadd.s32 $0xFFFFEC00  }
0x113: {  	[spmem:s2] =	stream.indirect.scatter.add.f32 [tilespmem:s12], [sflag:$0x6], $0x40, s26, s11, $0xb8;
	[tilespmem:$0x154A0] =	vst v63  }
0x114: {  	_ =	swait.ge [sflag:s10], $0x1400  }
0x115: {  	[sflag:s10] =	ssyncset.done $0x0  }
0x116: {  	s28 =	simm.s32 $0x4CE0;
	[sflag:s10] =	ssyncadd.s32 $0xFFFFEC00  }
0x117: {  	[spmem:s2] =	stream.indirect.scatter.add.f32 [tilespmem:s13], [sflag:$0x7], $0x40, s28, s11, $0xb8;
	[tilespmem:$0x154A0] =	vst v63  }
0x118: {  	_ =	swait.ge [sflag:s17], $0x1400  }
0x119: {  	[sflag:s17] =	ssyncset.done $0x0  }
0x11a: {  	s29 =	simm.s32 $0x4D30;
	[sflag:s17] =	ssyncadd.s32 $0xFFFFEC00  }
0x11b: {  	[spmem:s2] =	stream.indirect.scatter.add.f32 [tilespmem:s14], [sflag:$0x8], $0x40, s29, s11, $0xb8;
	[tilespmem:$0x154A0] =	vst v63  }
0x11c: {  	_ =	swait.ge [sflag:s18], $0x1400  }
0x11d: {  	[sflag:s18] =	ssyncset.done $0x0  }
0x11e: {  	s28 =	simm.s32 $0x4D80;
	[sflag:s18] =	ssyncadd.s32 $0xFFFFEC00  }
0x11f: {  	[spmem:s2] =	stream.indirect.scatter.add.f32 [tilespmem:s5], [sflag:$0x9], $0x40, s28, s11, $0xb8;
	[tilespmem:$0x154A0] =	vst v63  }
0x120: {  	_ =	swait.ge [sflag:s19], $0x1400  }
0x121: {  	[sflag:s19] =	ssyncset.done $0x0  }
0x122: {  	s29 =	simm.s32 $0x4DD0;
	[sflag:s19] =	ssyncadd.s32 $0xFFFFEC00  }
0x123: {  	[spmem:s2] =	stream.indirect.scatter.add.f32 [tilespmem:s15], [sflag:$0xA], $0x40, s29, s11, $0xb8;
	[tilespmem:$0x154A0] =	vst v63  }
0x124: {  	_ =	swait.ge [sflag:s16], $0x1400  }
0x125: {  	[sflag:s16] =	ssyncset.done $0x0  }
0x126: {  	[sflag:s16] =	ssyncadd.s32 $0xFFFFEC00  }
0x127: {  	_ =	swait.ge [sflag:s20], $0x1400  }
0x128: {  	[sflag:s20] =	ssyncset.done $0x0  }
0x129: {  	[sflag:s20] =	ssyncadd.s32 $0xFFFFEC00  }
0x12a: {  	_ =	swait.ge [sflag:s21], $0x1400  }
0x12b: {  	[sflag:s21] =	ssyncset.done $0x0  }
0x12c: {  	[sflag:s21] =	ssyncadd.s32 $0xFFFFEC00  }
0x12d: {  	_ =	swait.ge [sflag:s22], $0x1400  }
0x12e: {  	[sflag:s22] =	ssyncset.done $0x0  }
0x12f: {  	[sflag:s22] =	ssyncadd.s32 $0xFFFFEC00  }
0x130: {  	_ =	swait.ge [sflag:s23], $0x1400  }
0x131: {  	[sflag:s23] =	ssyncset.done $0x0  }
0x132: {  	[sflag:s23] =	ssyncadd.s32 $0xFFFFEC00  }
0x133: {  	s28 =	stileid.u32;
	[bflag:$0x0] =	sbarrier.arrive $0xFFFF  }
0x134: {  	s26 =	sshll.u32 s28, $0x6;
	s28 =	rddreg [dreg:$0x6]  }
0x135: {  	s26 =	sor.u32 $0x1C0B, s26;
	s29 =	rddreg [dreg:$0x17]  }
0x136: {  	[hbm:s28], [sflag:s26] =	dma.local [spmem:s29], $0x1388  }
0x137: {  	_ =	swait.ge [sflag:s24], $0x1388  }
0x138: {  	s25 =	sadd.s32 $0x1, s25;
	s29 =	rddreg [dreg:$0x7]  }
0x139: {  	p0 =	sne.s32 s25, s29  }
.Ltmp2:
0x13a: {  	_ = 	snop;
	(pc) =	sbr.rel @p0 .LBB2_1-.Ltmp2, $3  }
0x13b: {  	_ =	sdelay $0x1  }
0x13c: {  	[sflag:s24] =	ssyncset.done $0x0  }
0x13d: {  	[sflag:s24] =	ssyncadd.s32 $0xFFFFEC78  }
0x13e: {  	_ =	sfence.sel $0x180000  }
0x13f: {  	[bflag:$0x0] =	sbarrier.arrive $0xFFFF  }
0x140: {  	_ =	strace $0x9000004A  }
0x141: {  	s0 =	stileid.u32;
	[bflag:$0x2] =	sbarrier.arrive $0xFFFF  }
0x142: {  	p0 =	sne.s32 s0, $0x0;
	s0 =	rddreg [dreg:$0x3]  }
0x143: {  	s0 =	sadd.s32 @!p0 $0x100000, s0  }
0x144: {  	[sflag:s0] =	ssyncadd.tile.s32 @!p0 $0x1;
	_ =	shalt  }
.Lfunc_end2:
_tile_overlayer_lowered:
.L_overlay_start_2:
0x145: {  	(tag) =	ssettag $0x2  }
0x146: {  	s0 =	rddreg [dreg:$0x0];
	s2 =	stileid.u32  }
0x147: {  	s1 =	rddreg [dreg:$0x1];
	p0 =	sne.s32 s2, $0x0  }
0x148: {  	s3 =	rddreg [dreg:$0x2];
	[bflag:$0x3] =	sbarrier.arrive $0xFFFF;
	s2 =	simm.s32 @!p0 $0x1C0B  }
0x149: {  	[timem:s3], [sflag:s2] =	dma.local @!p0 [hbm:s0], s1  }
0x14a: {  	s0 =	simm.s32 @!p0 $0xB  }
0x14b: {  	_ =	swait.ge @!p0 [sflag:s0], s1  }
0x14c: {  	s1 =	ssub.s32 @!p0 $0x0, s1;
	[sflag:s0] =	ssyncset.done @!p0 $0x0  }
0x14d: {  	[sflag:s0] =	ssyncadd.s32 @!p0 s1  }
0x14e: {  	[bflag:$0x3] =	sbarrier.arrive $0xFFFF  }
0x14f: {  	_ =	shalt  }

</sc_bundles>
